<compile_context>
chip_gen: v7x
topology: tpu7x:2x2x1
jax: 0.10.2.dev20260603
libtpu: 0.0.44.dev20260713+nightly
codegen_flags: <defaults>
</compile_context>

<pallas_src>
import functools
import math

import jax
import jax.numpy as jnp
from jax import lax
from jax.experimental import pallas as pl
from jax.experimental.pallas import tpu as pltpu
from jax.experimental.pallas import tpu_sc as plsc

_N_GRAPHS = 64
_CH = 128
_DW = 8
_NC = 2
_NS = 16
_NW = _NC * _NS


def _sc_degree(dst3, ones, zeros):
    nw, k_chunks, ch = dst3.shape
    n_acc = zeros.shape[0] * _NS
    rpt = n_acc // _NS
    mesh = plsc.VectorSubcoreMesh(core_axis_name="c", subcore_axis_name="s")

    @functools.partial(
        pl.kernel,
        out_type=jax.ShapeDtypeStruct((_NC, n_acc, _DW), jnp.float32),
        mesh=mesh,
        scratch_types=[
            pltpu.VMEM((k_chunks, ch), jnp.int32),
            pltpu.VMEM((ch, _DW), jnp.float32),
            pltpu.VMEM_SHARED((n_acc, _DW), jnp.float32),
        ],
        compiler_params=pltpu.CompilerParams(use_tc_tiling_on_sc=False),
    )
    def deg_kernel(dst_hbm, ones_hbm, zeros_hbm, out_hbm, dst_v, ones_v, acc):
        cid = lax.axis_index("c")
        sid = lax.axis_index("s")
        wid = sid * _NC + cid
        pltpu.sync_copy(zeros_hbm, acc.at[pl.ds(sid * rpt, rpt)])
        pltpu.sync_copy(dst_hbm.at[wid], dst_v)
        pltpu.sync_copy(ones_hbm, ones_v)
        plsc.subcore_barrier()

        def body(j, carry):
            pltpu.sync_copy(ones_v, acc.at[dst_v.at[j]], add=True)
            return carry

        lax.fori_loop(0, k_chunks, body, 0)
        plsc.subcore_barrier()
        pltpu.sync_copy(acc.at[pl.ds(sid * rpt, rpt)],
                        out_hbm.at[cid, pl.ds(sid * rpt, rpt)])

    return deg_kernel(dst3, ones, zeros)


def _sc_conv_scatter(hp, src3, dst3, zeros):
    n_nodes, h_dim = hp.shape
    nw, k_chunks, ch = src3.shape
    n_acc = zeros.shape[0] * _NS
    rpt = n_acc // _NS
    mesh = plsc.VectorSubcoreMesh(core_axis_name="c", subcore_axis_name="s")

    @functools.partial(
        pl.kernel,
        out_type=jax.ShapeDtypeStruct((_NC, n_acc, h_dim), jnp.float32),
        mesh=mesh,
        scratch_types=[
            pltpu.VMEM((k_chunks, ch), jnp.int32),
            pltpu.VMEM((k_chunks, ch), jnp.int32),
            pltpu.VMEM((ch, h_dim), jnp.float32),
            pltpu.VMEM_SHARED((n_acc, h_dim), jnp.float32),
            pltpu.SemaphoreType.DMA,
        ],
        compiler_params=pltpu.CompilerParams(use_tc_tiling_on_sc=False),
    )
    def conv_kernel(hp_hbm, src_hbm, dst_hbm, zeros_hbm, out_hbm,
                    src_v, dst_v, rows_v, acc, sem):
        cid = lax.axis_index("c")
        sid = lax.axis_index("s")
        wid = sid * _NC + cid
        pltpu.sync_copy(zeros_hbm, acc.at[pl.ds(sid * rpt, rpt)])
        pltpu.sync_copy(src_hbm.at[wid], src_v)
        pltpu.sync_copy(dst_hbm.at[wid], dst_v)
        plsc.subcore_barrier()

        def body(j, carry):
            pltpu.async_copy(hp_hbm.at[src_v.at[j]], rows_v, sem).wait()
            pltpu.sync_copy(rows_v, acc.at[dst_v.at[j]], add=True)
            return carry

        lax.fori_loop(0, k_chunks, body, 0)
        plsc.subcore_barrier()
        pltpu.sync_copy(acc.at[pl.ds(sid * rpt, rpt)],
                        out_hbm.at[cid, pl.ds(sid * rpt, rpt)])

    return conv_kernel(hp, src3, dst3, zeros)


def _tc_in_proj(x, w1, degp):
    n, _ = x.shape
    h_dim = w1.shape[1]

    def body(x_ref, w_ref, degp_ref, hp_ref, dis_ref):
        dp = degp_ref[...]
        deg = lax.slice(dp[0] + dp[1], (0, 0), (n, 1)) + 1.0
        dis = lax.rsqrt(deg)
        h = jnp.dot(x_ref[...], w_ref[...], preferred_element_type=jnp.float32)
        hp_ref[...] = h * dis
        dis_ref[...] = dis

    return pl.pallas_call(
        body,
        out_shape=[jax.ShapeDtypeStruct((n, h_dim), jnp.float32),
                   jax.ShapeDtypeStruct((n, 1), jnp.float32)],
    )(x, w1, degp)


def _tc_mid(part, hp, dis, b1, g1, be1, w2):
    n, h_dim = hp.shape

    def body(part_ref, hp_ref, dis_ref, b_ref, g_ref, be_ref, w_ref, out_ref):
        p = part_ref[...]
        dis_v = dis_ref[...]
        psum = lax.slice(p[0] + p[1], (0, 0), (n, h_dim))
        agg = (psum + hp_ref[...]) * dis_v + b_ref[...]
        mu = jnp.mean(agg, axis=0, keepdims=True)
        var = jnp.mean((agg - mu) ** 2, axis=0, keepdims=True)
        h1 = (agg - mu) * lax.rsqrt(var + 1e-5) * g_ref[...] + be_ref[...]
        h1 = jnp.maximum(h1, 0.0)
        out_ref[...] = jnp.dot(h1, w_ref[...],
                               preferred_element_type=jnp.float32) * dis_v

    return pl.pallas_call(
        body,
        out_shape=jax.ShapeDtypeStruct((n, h_dim), jnp.float32),
    )(part, hp, dis, b1, g1, be1, w2)


def _tc_pool_head(part, hp, dis, b2, g2, be2, batch2d, wc, bc):
    n, h_dim = hp.shape
    n_graphs = _N_GRAPHS

    def body(part_ref, hp_ref, dis_ref, b_ref, g_ref, be_ref, batch_ref,
             wc_ref, bc_ref, out_ref, mx_ref):
        p = part_ref[...]
        psum = lax.slice(p[0] + p[1], (0, 0), (n, h_dim))
        agg = (psum + hp_ref[...]) * dis_ref[...] + b_ref[...]
        mu = jnp.mean(agg, axis=0, keepdims=True)
        var = jnp.mean((agg - mu) ** 2, axis=0, keepdims=True)
        h = (agg - mu) * lax.rsqrt(var + 1e-5) * g_ref[...] + be_ref[...]
        h = jnp.maximum(h, 0.0)

        gids = lax.broadcasted_iota(jnp.int32, (1, n_graphs), 1)
        batch_v = batch_ref[...]
        mask = (batch_v == gids).astype(jnp.float32)
        s = lax.dot_general(mask, h, (((0,), (0,)), ((), ())),
                            preferred_element_type=jnp.float32)
        ones_col = jnp.ones((n, 1), jnp.float32)
        cnt = lax.dot_general(mask, ones_col, (((0,), (0,)), ((), ())),
                              preferred_element_type=jnp.float32)
        mean = s / jnp.maximum(cnt, 1.0)

        def gbody(g, carry):
            col = (batch_v == g).astype(jnp.float32)
            m = jnp.max(h * col, axis=0, keepdims=True)
            mx_ref[pl.ds(g, 1), :] = m
            return carry

        lax.fori_loop(0, n_graphs, gbody, 0)

        pooled = jnp.concatenate([mean, mx_ref[...], s], axis=1)
        out_ref[...] = jnp.dot(pooled, wc_ref[...],
                               preferred_element_type=jnp.float32) + bc_ref[...]

    return pl.pallas_call(
        body,
        out_shape=jax.ShapeDtypeStruct((n_graphs, wc.shape[1]), jnp.float32),
        scratch_shapes=[pltpu.VMEM((n_graphs, h_dim), jnp.float32)],
    )(part, hp, dis, b2, g2, be2, batch2d, wc, bc)


def _pad_geometry(n_nodes, n_edges):
    k_chunks = math.ceil(n_edges / (_NW * _CH))
    pad_e = _NW * k_chunks * _CH
    n_acc = ((n_nodes + 1 + 127) // 128) * 128
    return k_chunks, pad_e, n_acc


def kernel(x, edge_index, batch, W1, b1, g1, be1, W2, b2, g2, be2, Wc, bc):
    n, _ = x.shape
    h_dim = W1.shape[1]
    n_edges = edge_index.shape[1]
    k_chunks, pad_e, n_acc = _pad_geometry(n, n_edges)

    src = jnp.concatenate(
        [edge_index[0], jnp.zeros((pad_e - n_edges,), jnp.int32)])
    dst = jnp.concatenate(
        [edge_index[1], jnp.full((pad_e - n_edges,), n, jnp.int32)])
    src3 = src.reshape(_NW, k_chunks, _CH)
    dst3 = dst.reshape(_NW, k_chunks, _CH)

    ones = jnp.ones((_CH, _DW), jnp.float32)
    zeros_deg = jnp.zeros((n_acc // _NS, _DW), jnp.float32)
    zeros_conv = jnp.zeros((n_acc // _NS, h_dim), jnp.float32)

    b1r, g1r, be1r = b1.reshape(1, -1), g1.reshape(1, -1), be1.reshape(1, -1)
    b2r, g2r, be2r = b2.reshape(1, -1), g2.reshape(1, -1), be2.reshape(1, -1)
    bcr = bc.reshape(1, -1)
    batch2d = batch.reshape(-1, 1)

    degp = _sc_degree(dst3, ones, zeros_deg)
    hp1, dis = _tc_in_proj(x, W1, degp)
    part1 = _sc_conv_scatter(hp1, src3, dst3, zeros_conv)
    hp2 = _tc_mid(part1, hp1, dis, b1r, g1r, be1r, W2)
    part2 = _sc_conv_scatter(hp2, src3, dst3, zeros_conv)
    return _tc_pool_head(part2, hp2, dis, b2r, g2r, be2r, batch2d, Wc, bcr)

# --- scband reference (transcript-rebuilt; emitter-appended) ---
"""Pipeline reference for scband-multi-pool-model-60619168416468 (READ-ONLY COPY).

The authoritative reference and input builder live on the scoring server;
editing this copy changes nothing except your own understanding.
"""

import jax, jax.numpy as jnp
import numpy as np

N_NODES = 10000
N_EDGES = 320000
D_FEAT = 128
HIDDEN = 64
N_CLASSES = 3
N_GRAPHS = 64


def setup_inputs(seed: int = 0) -> dict:
    key = jax.random.key(seed)
    ks = jax.random.split(key, 14)
    x = jax.random.normal(ks[0], (N_NODES, D_FEAT), dtype=jnp.float32)
    edge_index = jax.random.randint(ks[1], (2, N_EDGES), 0, N_NODES, dtype=jnp.int32)
    batch = jnp.sort(jax.random.randint(ks[2], (N_NODES,), 0, N_GRAPHS, dtype=jnp.int32))
    W1 = jax.random.normal(ks[3], (D_FEAT, HIDDEN), dtype=jnp.float32) * (1.0 / np.sqrt(D_FEAT))
    b1 = jnp.zeros((HIDDEN,), dtype=jnp.float32)
    g1 = jnp.ones((HIDDEN,), dtype=jnp.float32)
    be1 = jnp.zeros((HIDDEN,), dtype=jnp.float32)
    W2 = jax.random.normal(ks[4], (HIDDEN, HIDDEN), dtype=jnp.float32) * (1.0 / np.sqrt(HIDDEN))
    b2 = jnp.zeros((HIDDEN,), dtype=jnp.float32)
    g2 = jnp.ones((HIDDEN,), dtype=jnp.float32)
    be2 = jnp.zeros((HIDDEN,), dtype=jnp.float32)
    Wc = jax.random.normal(ks[5], (HIDDEN * 3, N_CLASSES), dtype=jnp.float32) * (1.0 / np.sqrt(HIDDEN * 3))
    bc = jnp.zeros((N_CLASSES,), dtype=jnp.float32)
    return {"x": x, "edge_index": edge_index, "batch": batch,
            "W1": W1, "b1": b1, "g1": g1, "be1": be1,
            "W2": W2, "b2": b2, "g2": g2, "be2": be2,
            "Wc": Wc, "bc": bc}


def _gcn_conv(x, src, dst, W, b, n):
    # PyG GCNConv: symmetric normalization with self-loops already appended to src/dst
    deg = jnp.zeros((n,), x.dtype).at[dst].add(1.0)
    dis = jnp.where(deg > 0, jax.lax.rsqrt(jnp.maximum(deg, 1e-12)), 0.0)
    norm = dis[src] * dis[dst]
    h = x @ W
    msg = h[src] * norm[:, None]
    out = jnp.zeros((n, W.shape[1]), x.dtype).at[dst].add(msg)
    return out + b


def _batch_norm(x, g, b, eps=1e-5):
    mu = jnp.mean(x, axis=0)
    var = jnp.mean((x - mu) ** 2, axis=0)
    return (x - mu) * jax.lax.rsqrt(var + eps) * g + b


def reference(x, edge_index, batch, W1, b1, g1, be1, W2, b2, g2, be2, Wc, bc):
    n = x.shape[0]
    loop = jnp.arange(n, dtype=edge_index.dtype)
    src = jnp.concatenate([edge_index[0], loop])
    dst = jnp.concatenate([edge_index[1], loop])
    h = _gcn_conv(x, src, dst, W1, b1, n)
    h = _batch_norm(h, g1, be1)
    h = jax.nn.relu(h)
    # dropout is identity in eval mode
    h = _gcn_conv(h, src, dst, W2, b2, n)
    h = _batch_norm(h, g2, be2)
    h = jax.nn.relu(h)
    s = jax.ops.segment_sum(h, batch, num_segments=N_GRAPHS)
    cnt = jax.ops.segment_sum(jnp.ones((n, 1), h.dtype), batch, num_segments=N_GRAPHS)
    mean = s / jnp.maximum(cnt, 1.0)
    mx = jax.ops.segment_max(h, batch, num_segments=N_GRAPHS)
    mx = jnp.where(jnp.isfinite(mx), mx, 0.0)
    pooled = jnp.concatenate([mean, mx, s], axis=1)
    return pooled @ Wc + bc

if __name__ == "__main__":
    import jax
    _d = setup_inputs()
    print(jax.jit(kernel)(*tuple(_d.values())))

</pallas_src>

<mosaic_0001>
#map = affine_map<(d0, d1) -> (0, 0)>
#map1 = affine_map<(d0, d1) -> (0, 0, 0)>
module attributes {stable_mosaic.version = 14 : i64} {
  func.func @conv_kernel(%arg0: i32, %arg1: i32, %arg2: memref<10000x64xf32, #tpu.memory_space<hbm>>, %arg3: memref<32x79x128xi32, #tpu.memory_space<hbm>>, %arg4: memref<32x79x128xi32, #tpu.memory_space<hbm>>, %arg5: memref<632x64xf32, #tpu.memory_space<hbm>>, %arg6: memref<2x10112x64xf32, #tpu.memory_space<hbm>>, %arg7: memref<79x128xi32, #tpu.memory_space<vmem>>, %arg8: memref<79x128xi32, #tpu.memory_space<vmem>>, %arg9: memref<128x64xf32, #tpu.memory_space<vmem>>, %arg10: memref<10112x64xf32, #tpu.memory_space<vmem_shared>>, %arg11: memref<!tpu.dma_semaphore, #tpu.memory_space<semaphore_mem>>) attributes {dimension_semantics = [#tpu.dimension_semantics<core_parallel>, #tpu.dimension_semantics<subcore_parallel>], iteration_bounds = array<i64: 2, 16>, scalar_prefetch = 0 : i64, scratch_operands = 5 : i64, tpu.core_type = #tpu.core_type<sc_vector_subcore>, window_params = [{transform_indices = #map}, {transform_indices = #map1}, {transform_indices = #map1}, {transform_indices = #map}, {transform_indices = #map1}]} {
    %mul3A = arith.constant 2 : i32
    %mul3A_0 = arith.muli %arg1, %mul3A : i32
    %add3A = arith.addi %mul3A_0, %arg0 : i32
    %mul3A_1 = arith.constant 632 : i32
    %mul3A_2 = arith.muli %arg1, %mul3A_1 : i32
    "tpu.region"() ({
      %run_scoped3A = tpu.sem_alloc : memref<!tpu.dma_semaphore, #tpu.memory_space<semaphore_mem>>
      %dma_start3A = arith.constant 0 : i32
      %dma_start3A_13 = tpu.memref_slice %arg10[%mul3A_2, %dma_start3A] : memref<10112x64xf32, #tpu.memory_space<vmem_shared>> -> memref<632x64xf32, #tpu.memory_space<vmem_shared>>
      tpu.enqueue_dma source(%arg5 : memref<632x64xf32, #tpu.memory_space<hbm>>) target(%dma_start3A_13 : memref<632x64xf32, #tpu.memory_space<vmem_shared>>) target_semaphore(%run_scoped3A : memref<!tpu.dma_semaphore, #tpu.memory_space<semaphore_mem>>)
      %dma_wait3A = arith.constant 0 : i32
      %dma_wait3A_14 = tpu.memref_slice %arg10[%mul3A_2, %dma_wait3A] : memref<10112x64xf32, #tpu.memory_space<vmem_shared>> -> memref<632x64xf32, #tpu.memory_space<vmem_shared>>
      tpu.wait_dma2 semaphore(%run_scoped3A : memref<!tpu.dma_semaphore, #tpu.memory_space<semaphore_mem>>) src(%arg5 : memref<632x64xf32, #tpu.memory_space<hbm>>) dst(%dma_wait3A_14 : memref<632x64xf32, #tpu.memory_space<vmem_shared>>)
      tpu.yield
    }) : () -> ()
    "tpu.region"() ({
      %run_scoped3A = tpu.sem_alloc : memref<!tpu.dma_semaphore, #tpu.memory_space<semaphore_mem>>
      %dma_start3A = arith.constant 0 : i32
      %dma_start3A_13 = arith.constant 0 : i32
      %dma_start3A_14 = tpu.memref_slice %arg3[%add3A, %dma_start3A, %dma_start3A_13] : memref<32x79x128xi32, #tpu.memory_space<hbm>> -> memref<1x79x128xi32, #tpu.memory_space<hbm>>
      %dma_start3A_15 = tpu.memref_squeeze %dma_start3A_14 : memref<1x79x128xi32, #tpu.memory_space<hbm>> -> memref<79x128xi32, #tpu.memory_space<hbm>>
      %dma_start3A_16 = arith.constant 0 : i32
      %dma_start3A_17 = arith.constant 0 : i32
      %dma_start3A_18 = tpu.memref_slice %arg3[%add3A, %dma_start3A_16, %dma_start3A_17] : memref<32x79x128xi32, #tpu.memory_space<hbm>> -> memref<1x79x128xi32, #tpu.memory_space<hbm>>
      %dma_start3A_19 = tpu.memref_squeeze %dma_start3A_18 : memref<1x79x128xi32, #tpu.memory_space<hbm>> -> memref<79x128xi32, #tpu.memory_space<hbm>>
      tpu.enqueue_dma source(%dma_start3A_19 : memref<79x128xi32, #tpu.memory_space<hbm>>) target(%arg7 : memref<79x128xi32, #tpu.memory_space<vmem>>) target_semaphore(%run_scoped3A : memref<!tpu.dma_semaphore, #tpu.memory_space<semaphore_mem>>)
      %dma_wait3A = arith.constant 0 : i32
      %dma_wait3A_20 = arith.constant 0 : i32
      %dma_wait3A_21 = tpu.memref_slice %arg3[%add3A, %dma_wait3A, %dma_wait3A_20] : memref<32x79x128xi32, #tpu.memory_space<hbm>> -> memref<1x79x128xi32, #tpu.memory_space<hbm>>
      %dma_wait3A_22 = tpu.memref_squeeze %dma_wait3A_21 : memref<1x79x128xi32, #tpu.memory_space<hbm>> -> memref<79x128xi32, #tpu.memory_space<hbm>>
      %dma_wait3A_23 = arith.constant 0 : i32
      %dma_wait3A_24 = arith.constant 0 : i32
      %dma_wait3A_25 = tpu.memref_slice %arg3[%add3A, %dma_wait3A_23, %dma_wait3A_24] : memref<32x79x128xi32, #tpu.memory_space<hbm>> -> memref<1x79x128xi32, #tpu.memory_space<hbm>>
      %dma_wait3A_26 = tpu.memref_squeeze %dma_wait3A_25 : memref<1x79x128xi32, #tpu.memory_space<hbm>> -> memref<79x128xi32, #tpu.memory_space<hbm>>
      tpu.wait_dma2 semaphore(%run_scoped3A : memref<!tpu.dma_semaphore, #tpu.memory_space<semaphore_mem>>) src(%dma_wait3A_26 : memref<79x128xi32, #tpu.memory_space<hbm>>) dst(%arg7 : memref<79x128xi32, #tpu.memory_space<vmem>>)
      tpu.yield
    }) : () -> ()
    "tpu.region"() ({
      %run_scoped3A = tpu.sem_alloc : memref<!tpu.dma_semaphore, #tpu.memory_space<semaphore_mem>>
      %dma_start3A = arith.constant 0 : i32
      %dma_start3A_13 = arith.constant 0 : i32
      %dma_start3A_14 = tpu.memref_slice %arg4[%add3A, %dma_start3A, %dma_start3A_13] : memref<32x79x128xi32, #tpu.memory_space<hbm>> -> memref<1x79x128xi32, #tpu.memory_space<hbm>>
      %dma_start3A_15 = tpu.memref_squeeze %dma_start3A_14 : memref<1x79x128xi32, #tpu.memory_space<hbm>> -> memref<79x128xi32, #tpu.memory_space<hbm>>
      %dma_start3A_16 = arith.constant 0 : i32
      %dma_start3A_17 = arith.constant 0 : i32
      %dma_start3A_18 = tpu.memref_slice %arg4[%add3A, %dma_start3A_16, %dma_start3A_17] : memref<32x79x128xi32, #tpu.memory_space<hbm>> -> memref<1x79x128xi32, #tpu.memory_space<hbm>>
      %dma_start3A_19 = tpu.memref_squeeze %dma_start3A_18 : memref<1x79x128xi32, #tpu.memory_space<hbm>> -> memref<79x128xi32, #tpu.memory_space<hbm>>
      tpu.enqueue_dma source(%dma_start3A_19 : memref<79x128xi32, #tpu.memory_space<hbm>>) target(%arg8 : memref<79x128xi32, #tpu.memory_space<vmem>>) target_semaphore(%run_scoped3A : memref<!tpu.dma_semaphore, #tpu.memory_space<semaphore_mem>>)
      %dma_wait3A = arith.constant 0 : i32
      %dma_wait3A_20 = arith.constant 0 : i32
      %dma_wait3A_21 = tpu.memref_slice %arg4[%add3A, %dma_wait3A, %dma_wait3A_20] : memref<32x79x128xi32, #tpu.memory_space<hbm>> -> memref<1x79x128xi32, #tpu.memory_space<hbm>>
      %dma_wait3A_22 = tpu.memref_squeeze %dma_wait3A_21 : memref<1x79x128xi32, #tpu.memory_space<hbm>> -> memref<79x128xi32, #tpu.memory_space<hbm>>
      %dma_wait3A_23 = arith.constant 0 : i32
      %dma_wait3A_24 = arith.constant 0 : i32
      %dma_wait3A_25 = tpu.memref_slice %arg4[%add3A, %dma_wait3A_23, %dma_wait3A_24] : memref<32x79x128xi32, #tpu.memory_space<hbm>> -> memref<1x79x128xi32, #tpu.memory_space<hbm>>
      %dma_wait3A_26 = tpu.memref_squeeze %dma_wait3A_25 : memref<1x79x128xi32, #tpu.memory_space<hbm>> -> memref<79x128xi32, #tpu.memory_space<hbm>>
      tpu.wait_dma2 semaphore(%run_scoped3A : memref<!tpu.dma_semaphore, #tpu.memory_space<semaphore_mem>>) src(%dma_wait3A_26 : memref<79x128xi32, #tpu.memory_space<hbm>>) dst(%arg8 : memref<79x128xi32, #tpu.memory_space<vmem>>)
      tpu.yield
    }) : () -> ()
    %barrier3A = arith.constant 0 : index
    tpu.barrier barrier_id(%barrier3A)
    %scan3A = arith.constant 0 : i32
    %scan3A_3 = arith.constant 0 : i32
    %scan3A_4 = arith.constant 79 : i32
    %scan3A_5 = arith.addi %scan3A_3, %scan3A_4 : i32
    %scan3A_6 = arith.constant 1 : i32
    scf.for %scan3A_13 = %scan3A_3 to %scan3A_5 step %scan3A_6  : i32 {
      %dma_start3A = arith.constant 0 : i32
      %dma_start3A_14 = tpu.memref_slice %arg7[%scan3A_13, %dma_start3A] : memref<79x128xi32, #tpu.memory_space<vmem>> -> memref<1x128xi32, #tpu.memory_space<vmem>>
      %dma_start3A_15 = tpu.memref_squeeze %dma_start3A_14 : memref<1x128xi32, #tpu.memory_space<vmem>> -> memref<128xi32, #tpu.memory_space<vmem>>
      %dma_start3A_16 = arith.constant 0 : i32
      %dma_start3A_17 = arith.constant 0 : i32
      %dma_start3A_18 = tpu.memref_slice %arg2[%dma_start3A_16, %dma_start3A_17] : memref<10000x64xf32, #tpu.memory_space<hbm>> -> memref<10000x64xf32, #tpu.memory_space<hbm>>
      tpu.enqueue_indirect_dma source(%dma_start3A_18 : memref<10000x64xf32, #tpu.memory_space<hbm>>) target(%arg9 : memref<128x64xf32, #tpu.memory_space<vmem>>) offsets(%dma_start3A_15 : memref<128xi32, #tpu.memory_space<vmem>>) semaphore(%arg11 : memref<!tpu.dma_semaphore, #tpu.memory_space<semaphore_mem>>)
      %dma_wait3A = arith.constant 0 : i32
      %dma_wait3A_19 = tpu.memref_slice %arg7[%scan3A_13, %dma_wait3A] : memref<79x128xi32, #tpu.memory_space<vmem>> -> memref<1x128xi32, #tpu.memory_space<vmem>>
      %dma_wait3A_20 = tpu.memref_squeeze %dma_wait3A_19 : memref<1x128xi32, #tpu.memory_space<vmem>> -> memref<128xi32, #tpu.memory_space<vmem>>
      %dma_wait3A_21 = arith.constant 0 : i32
      %dma_wait3A_22 = arith.constant 0 : i32
      %dma_wait3A_23 = tpu.memref_slice %arg2[%dma_wait3A_21, %dma_wait3A_22] : memref<10000x64xf32, #tpu.memory_space<hbm>> -> memref<10000x64xf32, #tpu.memory_space<hbm>>
      tpu.wait_indirect_dma semaphore(%arg11 : memref<!tpu.dma_semaphore, #tpu.memory_space<semaphore_mem>>) src(%dma_wait3A_23 : memref<10000x64xf32, #tpu.memory_space<hbm>>) dst(%arg9 : memref<128x64xf32, #tpu.memory_space<vmem>>)
      "tpu.region"() ({
        %run_scoped3A = tpu.sem_alloc : memref<!tpu.dma_semaphore, #tpu.memory_space<semaphore_mem>>
        %dma_start3A_24 = arith.constant 0 : i32
        %dma_start3A_25 = tpu.memref_slice %arg8[%scan3A_13, %dma_start3A_24] : memref<79x128xi32, #tpu.memory_space<vmem>> -> memref<1x128xi32, #tpu.memory_space<vmem>>
        %dma_start3A_26 = tpu.memref_squeeze %dma_start3A_25 : memref<1x128xi32, #tpu.memory_space<vmem>> -> memref<128xi32, #tpu.memory_space<vmem>>
        %dma_start3A_27 = arith.constant 0 : i32
        %dma_start3A_28 = arith.constant 0 : i32
        %dma_start3A_29 = tpu.memref_slice %arg10[%dma_start3A_27, %dma_start3A_28] : memref<10112x64xf32, #tpu.memory_space<vmem_shared>> -> memref<10112x64xf32, #tpu.memory_space<vmem_shared>>
        tpu.enqueue_indirect_dma source(%arg9 : memref<128x64xf32, #tpu.memory_space<vmem>>) target(%dma_start3A_29 : memref<10112x64xf32, #tpu.memory_space<vmem_shared>>) offsets(%dma_start3A_26 : memref<128xi32, #tpu.memory_space<vmem>>) semaphore(%run_scoped3A : memref<!tpu.dma_semaphore, #tpu.memory_space<semaphore_mem>>) {add = true}
        %dma_wait3A_30 = arith.constant 0 : i32
        %dma_wait3A_31 = tpu.memref_slice %arg8[%scan3A_13, %dma_wait3A_30] : memref<79x128xi32, #tpu.memory_space<vmem>> -> memref<1x128xi32, #tpu.memory_space<vmem>>
        %dma_wait3A_32 = tpu.memref_squeeze %dma_wait3A_31 : memref<1x128xi32, #tpu.memory_space<vmem>> -> memref<128xi32, #tpu.memory_space<vmem>>
        %dma_wait3A_33 = arith.constant 0 : i32
        %dma_wait3A_34 = arith.constant 0 : i32
        %dma_wait3A_35 = tpu.memref_slice %arg10[%dma_wait3A_33, %dma_wait3A_34] : memref<10112x64xf32, #tpu.memory_space<vmem_shared>> -> memref<10112x64xf32, #tpu.memory_space<vmem_shared>>
        tpu.wait_indirect_dma semaphore(%run_scoped3A : memref<!tpu.dma_semaphore, #tpu.memory_space<semaphore_mem>>) src(%arg9 : memref<128x64xf32, #tpu.memory_space<vmem>>) dst(%dma_wait3A_35 : memref<10112x64xf32, #tpu.memory_space<vmem_shared>>)
        tpu.yield
      }) : () -> ()
    }
    %scan3A_7 = arith.constant 79 : i32
    %barrier3A_8 = arith.constant 0 : index
    tpu.barrier barrier_id(%barrier3A_8)
    %mul3A_9 = arith.constant 632 : i32
    %mul3A_10 = arith.muli %arg1, %mul3A_9 : i32
    %mul3A_11 = arith.constant 632 : i32
    %mul3A_12 = arith.muli %arg1, %mul3A_11 : i32
    "tpu.region"() ({
      %run_scoped3A = tpu.sem_alloc : memref<!tpu.dma_semaphore, #tpu.memory_space<semaphore_mem>>
      %dma_start3A = arith.constant 0 : i32
      %dma_start3A_13 = tpu.memref_slice %arg6[%arg0, %mul3A_12, %dma_start3A] : memref<2x10112x64xf32, #tpu.memory_space<hbm>> -> memref<1x632x64xf32, #tpu.memory_space<hbm>>
      %dma_start3A_14 = tpu.memref_squeeze %dma_start3A_13 : memref<1x632x64xf32, #tpu.memory_space<hbm>> -> memref<632x64xf32, #tpu.memory_space<hbm>>
      %dma_start3A_15 = arith.constant 0 : i32
      %dma_start3A_16 = tpu.memref_slice %arg10[%mul3A_10, %dma_start3A_15] : memref<10112x64xf32, #tpu.memory_space<vmem_shared>> -> memref<632x64xf32, #tpu.memory_space<vmem_shared>>
      tpu.enqueue_dma source(%dma_start3A_16 : memref<632x64xf32, #tpu.memory_space<vmem_shared>>) target(%dma_start3A_14 : memref<632x64xf32, #tpu.memory_space<hbm>>) target_semaphore(%run_scoped3A : memref<!tpu.dma_semaphore, #tpu.memory_space<semaphore_mem>>)
      %dma_wait3A = arith.constant 0 : i32
      %dma_wait3A_17 = tpu.memref_slice %arg6[%arg0, %mul3A_12, %dma_wait3A] : memref<2x10112x64xf32, #tpu.memory_space<hbm>> -> memref<1x632x64xf32, #tpu.memory_space<hbm>>
      %dma_wait3A_18 = tpu.memref_squeeze %dma_wait3A_17 : memref<1x632x64xf32, #tpu.memory_space<hbm>> -> memref<632x64xf32, #tpu.memory_space<hbm>>
      %dma_wait3A_19 = arith.constant 0 : i32
      %dma_wait3A_20 = tpu.memref_slice %arg10[%mul3A_10, %dma_wait3A_19] : memref<10112x64xf32, #tpu.memory_space<vmem_shared>> -> memref<632x64xf32, #tpu.memory_space<vmem_shared>>
      tpu.wait_dma2 semaphore(%run_scoped3A : memref<!tpu.dma_semaphore, #tpu.memory_space<semaphore_mem>>) src(%dma_wait3A_20 : memref<632x64xf32, #tpu.memory_space<vmem_shared>>) dst(%dma_wait3A_18 : memref<632x64xf32, #tpu.memory_space<hbm>>)
      tpu.yield
    }) : () -> ()
    return
  }
}

#map = affine_map<(d0, d1) -> (0, 0, 0)>
#map1 = affine_map<(d0, d1) -> (0, 0)>
module attributes {stable_mosaic.version = 14 : i64} {
  func.func @deg_kernel(%arg0: i32, %arg1: i32, %arg2: memref<32x79x128xi32, #tpu.memory_space<hbm>>, %arg3: memref<128x8xf32, #tpu.memory_space<hbm>>, %arg4: memref<632x8xf32, #tpu.memory_space<hbm>>, %arg5: memref<2x10112x8xf32, #tpu.memory_space<hbm>>, %arg6: memref<79x128xi32, #tpu.memory_space<vmem>>, %arg7: memref<128x8xf32, #tpu.memory_space<vmem>>, %arg8: memref<10112x8xf32, #tpu.memory_space<vmem_shared>>) attributes {dimension_semantics = [#tpu.dimension_semantics<core_parallel>, #tpu.dimension_semantics<subcore_parallel>], iteration_bounds = array<i64: 2, 16>, scalar_prefetch = 0 : i64, scratch_operands = 3 : i64, tpu.core_type = #tpu.core_type<sc_vector_subcore>, window_params = [{transform_indices = #map}, {transform_indices = #map1}, {transform_indices = #map1}, {transform_indices = #map}]} {
    %mul3A = arith.constant 2 : i32
    %mul3A_0 = arith.muli %arg1, %mul3A : i32
    %add3A = arith.addi %mul3A_0, %arg0 : i32
    %mul3A_1 = arith.constant 632 : i32
    %mul3A_2 = arith.muli %arg1, %mul3A_1 : i32
    "tpu.region"() ({
      %run_scoped3A = tpu.sem_alloc : memref<!tpu.dma_semaphore, #tpu.memory_space<semaphore_mem>>
      %dma_start3A = arith.constant 0 : i32
      %dma_start3A_13 = tpu.memref_slice %arg8[%mul3A_2, %dma_start3A] : memref<10112x8xf32, #tpu.memory_space<vmem_shared>> -> memref<632x8xf32, #tpu.memory_space<vmem_shared>>
      tpu.enqueue_dma source(%arg4 : memref<632x8xf32, #tpu.memory_space<hbm>>) target(%dma_start3A_13 : memref<632x8xf32, #tpu.memory_space<vmem_shared>>) target_semaphore(%run_scoped3A : memref<!tpu.dma_semaphore, #tpu.memory_space<semaphore_mem>>)
      %dma_wait3A = arith.constant 0 : i32
      %dma_wait3A_14 = tpu.memref_slice %arg8[%mul3A_2, %dma_wait3A] : memref<10112x8xf32, #tpu.memory_space<vmem_shared>> -> memref<632x8xf32, #tpu.memory_space<vmem_shared>>
      tpu.wait_dma2 semaphore(%run_scoped3A : memref<!tpu.dma_semaphore, #tpu.memory_space<semaphore_mem>>) src(%arg4 : memref<632x8xf32, #tpu.memory_space<hbm>>) dst(%dma_wait3A_14 : memref<632x8xf32, #tpu.memory_space<vmem_shared>>)
      tpu.yield
    }) : () -> ()
    "tpu.region"() ({
      %run_scoped3A = tpu.sem_alloc : memref<!tpu.dma_semaphore, #tpu.memory_space<semaphore_mem>>
      %dma_start3A = arith.constant 0 : i32
      %dma_start3A_13 = arith.constant 0 : i32
      %dma_start3A_14 = tpu.memref_slice %arg2[%add3A, %dma_start3A, %dma_start3A_13] : memref<32x79x128xi32, #tpu.memory_space<hbm>> -> memref<1x79x128xi32, #tpu.memory_space<hbm>>
      %dma_start3A_15 = tpu.memref_squeeze %dma_start3A_14 : memref<1x79x128xi32, #tpu.memory_space<hbm>> -> memref<79x128xi32, #tpu.memory_space<hbm>>
      %dma_start3A_16 = arith.constant 0 : i32
      %dma_start3A_17 = arith.constant 0 : i32
      %dma_start3A_18 = tpu.memref_slice %arg2[%add3A, %dma_start3A_16, %dma_start3A_17] : memref<32x79x128xi32, #tpu.memory_space<hbm>> -> memref<1x79x128xi32, #tpu.memory_space<hbm>>
      %dma_start3A_19 = tpu.memref_squeeze %dma_start3A_18 : memref<1x79x128xi32, #tpu.memory_space<hbm>> -> memref<79x128xi32, #tpu.memory_space<hbm>>
      tpu.enqueue_dma source(%dma_start3A_19 : memref<79x128xi32, #tpu.memory_space<hbm>>) target(%arg6 : memref<79x128xi32, #tpu.memory_space<vmem>>) target_semaphore(%run_scoped3A : memref<!tpu.dma_semaphore, #tpu.memory_space<semaphore_mem>>)
      %dma_wait3A = arith.constant 0 : i32
      %dma_wait3A_20 = arith.constant 0 : i32
      %dma_wait3A_21 = tpu.memref_slice %arg2[%add3A, %dma_wait3A, %dma_wait3A_20] : memref<32x79x128xi32, #tpu.memory_space<hbm>> -> memref<1x79x128xi32, #tpu.memory_space<hbm>>
      %dma_wait3A_22 = tpu.memref_squeeze %dma_wait3A_21 : memref<1x79x128xi32, #tpu.memory_space<hbm>> -> memref<79x128xi32, #tpu.memory_space<hbm>>
      %dma_wait3A_23 = arith.constant 0 : i32
      %dma_wait3A_24 = arith.constant 0 : i32
      %dma_wait3A_25 = tpu.memref_slice %arg2[%add3A, %dma_wait3A_23, %dma_wait3A_24] : memref<32x79x128xi32, #tpu.memory_space<hbm>> -> memref<1x79x128xi32, #tpu.memory_space<hbm>>
      %dma_wait3A_26 = tpu.memref_squeeze %dma_wait3A_25 : memref<1x79x128xi32, #tpu.memory_space<hbm>> -> memref<79x128xi32, #tpu.memory_space<hbm>>
      tpu.wait_dma2 semaphore(%run_scoped3A : memref<!tpu.dma_semaphore, #tpu.memory_space<semaphore_mem>>) src(%dma_wait3A_26 : memref<79x128xi32, #tpu.memory_space<hbm>>) dst(%arg6 : memref<79x128xi32, #tpu.memory_space<vmem>>)
      tpu.yield
    }) : () -> ()
    "tpu.region"() ({
      %run_scoped3A = tpu.sem_alloc : memref<!tpu.dma_semaphore, #tpu.memory_space<semaphore_mem>>
      tpu.enqueue_dma source(%arg3 : memref<128x8xf32, #tpu.memory_space<hbm>>) target(%arg7 : memref<128x8xf32, #tpu.memory_space<vmem>>) target_semaphore(%run_scoped3A : memref<!tpu.dma_semaphore, #tpu.memory_space<semaphore_mem>>)
      tpu.wait_dma2 semaphore(%run_scoped3A : memref<!tpu.dma_semaphore, #tpu.memory_space<semaphore_mem>>) src(%arg3 : memref<128x8xf32, #tpu.memory_space<hbm>>) dst(%arg7 : memref<128x8xf32, #tpu.memory_space<vmem>>)
      tpu.yield
    }) : () -> ()
    %barrier3A = arith.constant 0 : index
    tpu.barrier barrier_id(%barrier3A)
    %scan3A = arith.constant 0 : i32
    %scan3A_3 = arith.constant 0 : i32
    %scan3A_4 = arith.constant 79 : i32
    %scan3A_5 = arith.addi %scan3A_3, %scan3A_4 : i32
    %scan3A_6 = arith.constant 1 : i32
    scf.for %scan3A_13 = %scan3A_3 to %scan3A_5 step %scan3A_6  : i32 {
      "tpu.region"() ({
        %run_scoped3A = tpu.sem_alloc : memref<!tpu.dma_semaphore, #tpu.memory_space<semaphore_mem>>
        %dma_start3A = arith.constant 0 : i32
        %dma_start3A_14 = tpu.memref_slice %arg6[%scan3A_13, %dma_start3A] : memref<79x128xi32, #tpu.memory_space<vmem>> -> memref<1x128xi32, #tpu.memory_space<vmem>>
        %dma_start3A_15 = tpu.memref_squeeze %dma_start3A_14 : memref<1x128xi32, #tpu.memory_space<vmem>> -> memref<128xi32, #tpu.memory_space<vmem>>
        %dma_start3A_16 = arith.constant 0 : i32
        %dma_start3A_17 = arith.constant 0 : i32
        %dma_start3A_18 = tpu.memref_slice %arg8[%dma_start3A_16, %dma_start3A_17] : memref<10112x8xf32, #tpu.memory_space<vmem_shared>> -> memref<10112x8xf32, #tpu.memory_space<vmem_shared>>
        tpu.enqueue_indirect_dma source(%arg7 : memref<128x8xf32, #tpu.memory_space<vmem>>) target(%dma_start3A_18 : memref<10112x8xf32, #tpu.memory_space<vmem_shared>>) offsets(%dma_start3A_15 : memref<128xi32, #tpu.memory_space<vmem>>) semaphore(%run_scoped3A : memref<!tpu.dma_semaphore, #tpu.memory_space<semaphore_mem>>) {add = true}
        %dma_wait3A = arith.constant 0 : i32
        %dma_wait3A_19 = tpu.memref_slice %arg6[%scan3A_13, %dma_wait3A] : memref<79x128xi32, #tpu.memory_space<vmem>> -> memref<1x128xi32, #tpu.memory_space<vmem>>
        %dma_wait3A_20 = tpu.memref_squeeze %dma_wait3A_19 : memref<1x128xi32, #tpu.memory_space<vmem>> -> memref<128xi32, #tpu.memory_space<vmem>>
        %dma_wait3A_21 = arith.constant 0 : i32
        %dma_wait3A_22 = arith.constant 0 : i32
        %dma_wait3A_23 = tpu.memref_slice %arg8[%dma_wait3A_21, %dma_wait3A_22] : memref<10112x8xf32, #tpu.memory_space<vmem_shared>> -> memref<10112x8xf32, #tpu.memory_space<vmem_shared>>
        tpu.wait_indirect_dma semaphore(%run_scoped3A : memref<!tpu.dma_semaphore, #tpu.memory_space<semaphore_mem>>) src(%arg7 : memref<128x8xf32, #tpu.memory_space<vmem>>) dst(%dma_wait3A_23 : memref<10112x8xf32, #tpu.memory_space<vmem_shared>>)
        tpu.yield
      }) : () -> ()
    }
    %scan3A_7 = arith.constant 79 : i32
    %barrier3A_8 = arith.constant 0 : index
    tpu.barrier barrier_id(%barrier3A_8)
    %mul3A_9 = arith.constant 632 : i32
    %mul3A_10 = arith.muli %arg1, %mul3A_9 : i32
    %mul3A_11 = arith.constant 632 : i32
    %mul3A_12 = arith.muli %arg1, %mul3A_11 : i32
    "tpu.region"() ({
      %run_scoped3A = tpu.sem_alloc : memref<!tpu.dma_semaphore, #tpu.memory_space<semaphore_mem>>
      %dma_start3A = arith.constant 0 : i32
      %dma_start3A_13 = tpu.memref_slice %arg5[%arg0, %mul3A_12, %dma_start3A] : memref<2x10112x8xf32, #tpu.memory_space<hbm>> -> memref<1x632x8xf32, #tpu.memory_space<hbm>>
      %dma_start3A_14 = tpu.memref_squeeze %dma_start3A_13 : memref<1x632x8xf32, #tpu.memory_space<hbm>> -> memref<632x8xf32, #tpu.memory_space<hbm>>
      %dma_start3A_15 = arith.constant 0 : i32
      %dma_start3A_16 = tpu.memref_slice %arg8[%mul3A_10, %dma_start3A_15] : memref<10112x8xf32, #tpu.memory_space<vmem_shared>> -> memref<632x8xf32, #tpu.memory_space<vmem_shared>>
      tpu.enqueue_dma source(%dma_start3A_16 : memref<632x8xf32, #tpu.memory_space<vmem_shared>>) target(%dma_start3A_14 : memref<632x8xf32, #tpu.memory_space<hbm>>) target_semaphore(%run_scoped3A : memref<!tpu.dma_semaphore, #tpu.memory_space<semaphore_mem>>)
      %dma_wait3A = arith.constant 0 : i32
      %dma_wait3A_17 = tpu.memref_slice %arg5[%arg0, %mul3A_12, %dma_wait3A] : memref<2x10112x8xf32, #tpu.memory_space<hbm>> -> memref<1x632x8xf32, #tpu.memory_space<hbm>>
      %dma_wait3A_18 = tpu.memref_squeeze %dma_wait3A_17 : memref<1x632x8xf32, #tpu.memory_space<hbm>> -> memref<632x8xf32, #tpu.memory_space<hbm>>
      %dma_wait3A_19 = arith.constant 0 : i32
      %dma_wait3A_20 = tpu.memref_slice %arg8[%mul3A_10, %dma_wait3A_19] : memref<10112x8xf32, #tpu.memory_space<vmem_shared>> -> memref<632x8xf32, #tpu.memory_space<vmem_shared>>
      tpu.wait_dma2 semaphore(%run_scoped3A : memref<!tpu.dma_semaphore, #tpu.memory_space<semaphore_mem>>) src(%dma_wait3A_20 : memref<632x8xf32, #tpu.memory_space<vmem_shared>>) dst(%dma_wait3A_18 : memref<632x8xf32, #tpu.memory_space<hbm>>)
      tpu.yield
    }) : () -> ()
    return
  }
}

#map = affine_map<(d0, d1) -> (0, 0)>
#map1 = affine_map<(d0, d1) -> (0, 0, 0)>
module attributes {stable_mosaic.version = 14 : i64} {
  func.func @conv_kernel(%arg0: i32, %arg1: i32, %arg2: memref<10000x64xf32, #tpu.memory_space<hbm>>, %arg3: memref<32x79x128xi32, #tpu.memory_space<hbm>>, %arg4: memref<32x79x128xi32, #tpu.memory_space<hbm>>, %arg5: memref<632x64xf32, #tpu.memory_space<hbm>>, %arg6: memref<2x10112x64xf32, #tpu.memory_space<hbm>>, %arg7: memref<79x128xi32, #tpu.memory_space<vmem>>, %arg8: memref<79x128xi32, #tpu.memory_space<vmem>>, %arg9: memref<128x64xf32, #tpu.memory_space<vmem>>, %arg10: memref<10112x64xf32, #tpu.memory_space<vmem_shared>>, %arg11: memref<!tpu.dma_semaphore, #tpu.memory_space<semaphore_mem>>) attributes {dimension_semantics = [#tpu.dimension_semantics<core_parallel>, #tpu.dimension_semantics<subcore_parallel>], iteration_bounds = array<i64: 2, 16>, scalar_prefetch = 0 : i64, scratch_operands = 5 : i64, tpu.core_type = #tpu.core_type<sc_vector_subcore>, window_params = [{transform_indices = #map}, {transform_indices = #map1}, {transform_indices = #map1}, {transform_indices = #map}, {transform_indices = #map1}]} {
    %mul3A = arith.constant 2 : i32
    %mul3A_0 = arith.muli %arg1, %mul3A : i32
    %add3A = arith.addi %mul3A_0, %arg0 : i32
    %mul3A_1 = arith.constant 632 : i32
    %mul3A_2 = arith.muli %arg1, %mul3A_1 : i32
    "tpu.region"() ({
      %run_scoped3A = tpu.sem_alloc : memref<!tpu.dma_semaphore, #tpu.memory_space<semaphore_mem>>
      %dma_start3A = arith.constant 0 : i32
      %dma_start3A_13 = tpu.memref_slice %arg10[%mul3A_2, %dma_start3A] : memref<10112x64xf32, #tpu.memory_space<vmem_shared>> -> memref<632x64xf32, #tpu.memory_space<vmem_shared>>
      tpu.enqueue_dma source(%arg5 : memref<632x64xf32, #tpu.memory_space<hbm>>) target(%dma_start3A_13 : memref<632x64xf32, #tpu.memory_space<vmem_shared>>) target_semaphore(%run_scoped3A : memref<!tpu.dma_semaphore, #tpu.memory_space<semaphore_mem>>)
      %dma_wait3A = arith.constant 0 : i32
      %dma_wait3A_14 = tpu.memref_slice %arg10[%mul3A_2, %dma_wait3A] : memref<10112x64xf32, #tpu.memory_space<vmem_shared>> -> memref<632x64xf32, #tpu.memory_space<vmem_shared>>
      tpu.wait_dma2 semaphore(%run_scoped3A : memref<!tpu.dma_semaphore, #tpu.memory_space<semaphore_mem>>) src(%arg5 : memref<632x64xf32, #tpu.memory_space<hbm>>) dst(%dma_wait3A_14 : memref<632x64xf32, #tpu.memory_space<vmem_shared>>)
      tpu.yield
    }) : () -> ()
    "tpu.region"() ({
      %run_scoped3A = tpu.sem_alloc : memref<!tpu.dma_semaphore, #tpu.memory_space<semaphore_mem>>
      %dma_start3A = arith.constant 0 : i32
      %dma_start3A_13 = arith.constant 0 : i32
      %dma_start3A_14 = tpu.memref_slice %arg3[%add3A, %dma_start3A, %dma_start3A_13] : memref<32x79x128xi32, #tpu.memory_space<hbm>> -> memref<1x79x128xi32, #tpu.memory_space<hbm>>
      %dma_start3A_15 = tpu.memref_squeeze %dma_start3A_14 : memref<1x79x128xi32, #tpu.memory_space<hbm>> -> memref<79x128xi32, #tpu.memory_space<hbm>>
      %dma_start3A_16 = arith.constant 0 : i32
      %dma_start3A_17 = arith.constant 0 : i32
      %dma_start3A_18 = tpu.memref_slice %arg3[%add3A, %dma_start3A_16, %dma_start3A_17] : memref<32x79x128xi32, #tpu.memory_space<hbm>> -> memref<1x79x128xi32, #tpu.memory_space<hbm>>
      %dma_start3A_19 = tpu.memref_squeeze %dma_start3A_18 : memref<1x79x128xi32, #tpu.memory_space<hbm>> -> memref<79x128xi32, #tpu.memory_space<hbm>>
      tpu.enqueue_dma source(%dma_start3A_19 : memref<79x128xi32, #tpu.memory_space<hbm>>) target(%arg7 : memref<79x128xi32, #tpu.memory_space<vmem>>) target_semaphore(%run_scoped3A : memref<!tpu.dma_semaphore, #tpu.memory_space<semaphore_mem>>)
      %dma_wait3A = arith.constant 0 : i32
      %dma_wait3A_20 = arith.constant 0 : i32
      %dma_wait3A_21 = tpu.memref_slice %arg3[%add3A, %dma_wait3A, %dma_wait3A_20] : memref<32x79x128xi32, #tpu.memory_space<hbm>> -> memref<1x79x128xi32, #tpu.memory_space<hbm>>
      %dma_wait3A_22 = tpu.memref_squeeze %dma_wait3A_21 : memref<1x79x128xi32, #tpu.memory_space<hbm>> -> memref<79x128xi32, #tpu.memory_space<hbm>>
      %dma_wait3A_23 = arith.constant 0 : i32
      %dma_wait3A_24 = arith.constant 0 : i32
      %dma_wait3A_25 = tpu.memref_slice %arg3[%add3A, %dma_wait3A_23, %dma_wait3A_24] : memref<32x79x128xi32, #tpu.memory_space<hbm>> -> memref<1x79x128xi32, #tpu.memory_space<hbm>>
      %dma_wait3A_26 = tpu.memref_squeeze %dma_wait3A_25 : memref<1x79x128xi32, #tpu.memory_space<hbm>> -> memref<79x128xi32, #tpu.memory_space<hbm>>
      tpu.wait_dma2 semaphore(%run_scoped3A : memref<!tpu.dma_semaphore, #tpu.memory_space<semaphore_mem>>) src(%dma_wait3A_26 : memref<79x128xi32, #tpu.memory_space<hbm>>) dst(%arg7 : memref<79x128xi32, #tpu.memory_space<vmem>>)
      tpu.yield
    }) : () -> ()
    "tpu.region"() ({
      %run_scoped3A = tpu.sem_alloc : memref<!tpu.dma_semaphore, #tpu.memory_space<semaphore_mem>>
      %dma_start3A = arith.constant 0 : i32
      %dma_start3A_13 = arith.constant 0 : i32
      %dma_start3A_14 = tpu.memref_slice %arg4[%add3A, %dma_start3A, %dma_start3A_13] : memref<32x79x128xi32, #tpu.memory_space<hbm>> -> memref<1x79x128xi32, #tpu.memory_space<hbm>>
      %dma_start3A_15 = tpu.memref_squeeze %dma_start3A_14 : memref<1x79x128xi32, #tpu.memory_space<hbm>> -> memref<79x128xi32, #tpu.memory_space<hbm>>
      %dma_start3A_16 = arith.constant 0 : i32
      %dma_start3A_17 = arith.constant 0 : i32
      %dma_start3A_18 = tpu.memref_slice %arg4[%add3A, %dma_start3A_16, %dma_start3A_17] : memref<32x79x128xi32, #tpu.memory_space<hbm>> -> memref<1x79x128xi32, #tpu.memory_space<hbm>>
      %dma_start3A_19 = tpu.memref_squeeze %dma_start3A_18 : memref<1x79x128xi32, #tpu.memory_space<hbm>> -> memref<79x128xi32, #tpu.memory_space<hbm>>
      tpu.enqueue_dma source(%dma_start3A_19 : memref<79x128xi32, #tpu.memory_space<hbm>>) target(%arg8 : memref<79x128xi32, #tpu.memory_space<vmem>>) target_semaphore(%run_scoped3A : memref<!tpu.dma_semaphore, #tpu.memory_space<semaphore_mem>>)
      %dma_wait3A = arith.constant 0 : i32
      %dma_wait3A_20 = arith.constant 0 : i32
      %dma_wait3A_21 = tpu.memref_slice %arg4[%add3A, %dma_wait3A, %dma_wait3A_20] : memref<32x79x128xi32, #tpu.memory_space<hbm>> -> memref<1x79x128xi32, #tpu.memory_space<hbm>>
      %dma_wait3A_22 = tpu.memref_squeeze %dma_wait3A_21 : memref<1x79x128xi32, #tpu.memory_space<hbm>> -> memref<79x128xi32, #tpu.memory_space<hbm>>
      %dma_wait3A_23 = arith.constant 0 : i32
      %dma_wait3A_24 = arith.constant 0 : i32
      %dma_wait3A_25 = tpu.memref_slice %arg4[%add3A, %dma_wait3A_23, %dma_wait3A_24] : memref<32x79x128xi32, #tpu.memory_space<hbm>> -> memref<1x79x128xi32, #tpu.memory_space<hbm>>
      %dma_wait3A_26 = tpu.memref_squeeze %dma_wait3A_25 : memref<1x79x128xi32, #tpu.memory_space<hbm>> -> memref<79x128xi32, #tpu.memory_space<hbm>>
      tpu.wait_dma2 semaphore(%run_scoped3A : memref<!tpu.dma_semaphore, #tpu.memory_space<semaphore_mem>>) src(%dma_wait3A_26 : memref<79x128xi32, #tpu.memory_space<hbm>>) dst(%arg8 : memref<79x128xi32, #tpu.memory_space<vmem>>)
      tpu.yield
    }) : () -> ()
    %barrier3A = arith.constant 0 : index
    tpu.barrier barrier_id(%barrier3A)
    %scan3A = arith.constant 0 : i32
    %scan3A_3 = arith.constant 0 : i32
    %scan3A_4 = arith.constant 79 : i32
    %scan3A_5 = arith.addi %scan3A_3, %scan3A_4 : i32
    %scan3A_6 = arith.constant 1 : i32
    scf.for %scan3A_13 = %scan3A_3 to %scan3A_5 step %scan3A_6  : i32 {
      %dma_start3A = arith.constant 0 : i32
      %dma_start3A_14 = tpu.memref_slice %arg7[%scan3A_13, %dma_start3A] : memref<79x128xi32, #tpu.memory_space<vmem>> -> memref<1x128xi32, #tpu.memory_space<vmem>>
      %dma_start3A_15 = tpu.memref_squeeze %dma_start3A_14 : memref<1x128xi32, #tpu.memory_space<vmem>> -> memref<128xi32, #tpu.memory_space<vmem>>
      %dma_start3A_16 = arith.constant 0 : i32
      %dma_start3A_17 = arith.constant 0 : i32
      %dma_start3A_18 = tpu.memref_slice %arg2[%dma_start3A_16, %dma_start3A_17] : memref<10000x64xf32, #tpu.memory_space<hbm>> -> memref<10000x64xf32, #tpu.memory_space<hbm>>
      tpu.enqueue_indirect_dma source(%dma_start3A_18 : memref<10000x64xf32, #tpu.memory_space<hbm>>) target(%arg9 : memref<128x64xf32, #tpu.memory_space<vmem>>) offsets(%dma_start3A_15 : memref<128xi32, #tpu.memory_space<vmem>>) semaphore(%arg11 : memref<!tpu.dma_semaphore, #tpu.memory_space<semaphore_mem>>)
      %dma_wait3A = arith.constant 0 : i32
      %dma_wait3A_19 = tpu.memref_slice %arg7[%scan3A_13, %dma_wait3A] : memref<79x128xi32, #tpu.memory_space<vmem>> -> memref<1x128xi32, #tpu.memory_space<vmem>>
      %dma_wait3A_20 = tpu.memref_squeeze %dma_wait3A_19 : memref<1x128xi32, #tpu.memory_space<vmem>> -> memref<128xi32, #tpu.memory_space<vmem>>
      %dma_wait3A_21 = arith.constant 0 : i32
      %dma_wait3A_22 = arith.constant 0 : i32
      %dma_wait3A_23 = tpu.memref_slice %arg2[%dma_wait3A_21, %dma_wait3A_22] : memref<10000x64xf32, #tpu.memory_space<hbm>> -> memref<10000x64xf32, #tpu.memory_space<hbm>>
      tpu.wait_indirect_dma semaphore(%arg11 : memref<!tpu.dma_semaphore, #tpu.memory_space<semaphore_mem>>) src(%dma_wait3A_23 : memref<10000x64xf32, #tpu.memory_space<hbm>>) dst(%arg9 : memref<128x64xf32, #tpu.memory_space<vmem>>)
      "tpu.region"() ({
        %run_scoped3A = tpu.sem_alloc : memref<!tpu.dma_semaphore, #tpu.memory_space<semaphore_mem>>
        %dma_start3A_24 = arith.constant 0 : i32
        %dma_start3A_25 = tpu.memref_slice %arg8[%scan3A_13, %dma_start3A_24] : memref<79x128xi32, #tpu.memory_space<vmem>> -> memref<1x128xi32, #tpu.memory_space<vmem>>
        %dma_start3A_26 = tpu.memref_squeeze %dma_start3A_25 : memref<1x128xi32, #tpu.memory_space<vmem>> -> memref<128xi32, #tpu.memory_space<vmem>>
        %dma_start3A_27 = arith.constant 0 : i32
        %dma_start3A_28 = arith.constant 0 : i32
        %dma_start3A_29 = tpu.memref_slice %arg10[%dma_start3A_27, %dma_start3A_28] : memref<10112x64xf32, #tpu.memory_space<vmem_shared>> -> memref<10112x64xf32, #tpu.memory_space<vmem_shared>>
        tpu.enqueue_indirect_dma source(%arg9 : memref<128x64xf32, #tpu.memory_space<vmem>>) target(%dma_start3A_29 : memref<10112x64xf32, #tpu.memory_space<vmem_shared>>) offsets(%dma_start3A_26 : memref<128xi32, #tpu.memory_space<vmem>>) semaphore(%run_scoped3A : memref<!tpu.dma_semaphore, #tpu.memory_space<semaphore_mem>>) {add = true}
        %dma_wait3A_30 = arith.constant 0 : i32
        %dma_wait3A_31 = tpu.memref_slice %arg8[%scan3A_13, %dma_wait3A_30] : memref<79x128xi32, #tpu.memory_space<vmem>> -> memref<1x128xi32, #tpu.memory_space<vmem>>
        %dma_wait3A_32 = tpu.memref_squeeze %dma_wait3A_31 : memref<1x128xi32, #tpu.memory_space<vmem>> -> memref<128xi32, #tpu.memory_space<vmem>>
        %dma_wait3A_33 = arith.constant 0 : i32
        %dma_wait3A_34 = arith.constant 0 : i32
        %dma_wait3A_35 = tpu.memref_slice %arg10[%dma_wait3A_33, %dma_wait3A_34] : memref<10112x64xf32, #tpu.memory_space<vmem_shared>> -> memref<10112x64xf32, #tpu.memory_space<vmem_shared>>
        tpu.wait_indirect_dma semaphore(%run_scoped3A : memref<!tpu.dma_semaphore, #tpu.memory_space<semaphore_mem>>) src(%arg9 : memref<128x64xf32, #tpu.memory_space<vmem>>) dst(%dma_wait3A_35 : memref<10112x64xf32, #tpu.memory_space<vmem_shared>>)
        tpu.yield
      }) : () -> ()
    }
    %scan3A_7 = arith.constant 79 : i32
    %barrier3A_8 = arith.constant 0 : index
    tpu.barrier barrier_id(%barrier3A_8)
    %mul3A_9 = arith.constant 632 : i32
    %mul3A_10 = arith.muli %arg1, %mul3A_9 : i32
    %mul3A_11 = arith.constant 632 : i32
    %mul3A_12 = arith.muli %arg1, %mul3A_11 : i32
    "tpu.region"() ({
      %run_scoped3A = tpu.sem_alloc : memref<!tpu.dma_semaphore, #tpu.memory_space<semaphore_mem>>
      %dma_start3A = arith.constant 0 : i32
      %dma_start3A_13 = tpu.memref_slice %arg6[%arg0, %mul3A_12, %dma_start3A] : memref<2x10112x64xf32, #tpu.memory_space<hbm>> -> memref<1x632x64xf32, #tpu.memory_space<hbm>>
      %dma_start3A_14 = tpu.memref_squeeze %dma_start3A_13 : memref<1x632x64xf32, #tpu.memory_space<hbm>> -> memref<632x64xf32, #tpu.memory_space<hbm>>
      %dma_start3A_15 = arith.constant 0 : i32
      %dma_start3A_16 = tpu.memref_slice %arg10[%mul3A_10, %dma_start3A_15] : memref<10112x64xf32, #tpu.memory_space<vmem_shared>> -> memref<632x64xf32, #tpu.memory_space<vmem_shared>>
      tpu.enqueue_dma source(%dma_start3A_16 : memref<632x64xf32, #tpu.memory_space<vmem_shared>>) target(%dma_start3A_14 : memref<632x64xf32, #tpu.memory_space<hbm>>) target_semaphore(%run_scoped3A : memref<!tpu.dma_semaphore, #tpu.memory_space<semaphore_mem>>)
      %dma_wait3A = arith.constant 0 : i32
      %dma_wait3A_17 = tpu.memref_slice %arg6[%arg0, %mul3A_12, %dma_wait3A] : memref<2x10112x64xf32, #tpu.memory_space<hbm>> -> memref<1x632x64xf32, #tpu.memory_space<hbm>>
      %dma_wait3A_18 = tpu.memref_squeeze %dma_wait3A_17 : memref<1x632x64xf32, #tpu.memory_space<hbm>> -> memref<632x64xf32, #tpu.memory_space<hbm>>
      %dma_wait3A_19 = arith.constant 0 : i32
      %dma_wait3A_20 = tpu.memref_slice %arg10[%mul3A_10, %dma_wait3A_19] : memref<10112x64xf32, #tpu.memory_space<vmem_shared>> -> memref<632x64xf32, #tpu.memory_space<vmem_shared>>
      tpu.wait_dma2 semaphore(%run_scoped3A : memref<!tpu.dma_semaphore, #tpu.memory_space<semaphore_mem>>) src(%dma_wait3A_20 : memref<632x64xf32, #tpu.memory_space<vmem_shared>>) dst(%dma_wait3A_18 : memref<632x64xf32, #tpu.memory_space<hbm>>)
      tpu.yield
    }) : () -> ()
    return
  }
}

module attributes {stable_mosaic.version = 14 : i64} {
  func.func @body(%arg0: memref<10000x128xf32, #tpu.memory_space<vmem>>, %arg1: memref<128x64xf32, #tpu.memory_space<vmem>>, %arg2: memref<2x10112x8xf32, #tpu.memory_space<vmem>>, %arg3: memref<10000x64xf32, #tpu.memory_space<vmem>>, %arg4: memref<10000x1xf32, #tpu.memory_space<vmem>>) attributes {dimension_semantics = [], scalar_prefetch = 0 : i64, scratch_operands = 0 : i64, tpu.core_type = #tpu.core_type<tc>} {
    %get3A = arith.constant 0 : index
    %get3A_0 = arith.constant 0 : index
    %get3A_1 = arith.constant 0 : index
    %get3A_2 = vector.load %arg2[%get3A, %get3A_0, %get3A_1] : memref<2x10112x8xf32, #tpu.memory_space<vmem>>, vector<2x10112x8xf32>
    %slice3A = vector.extract_strided_slice %get3A_2 {offsets = [0, 0, 0], sizes = [1, 10112, 8], strides = [1, 1, 1]} : vector<2x10112x8xf32> to vector<1x10112x8xf32>
    %squeeze3A = vector.shape_cast %slice3A : vector<1x10112x8xf32> to vector<10112x8xf32>
    %slice3A_3 = vector.extract_strided_slice %get3A_2 {offsets = [1, 0, 0], sizes = [1, 10112, 8], strides = [1, 1, 1]} : vector<2x10112x8xf32> to vector<1x10112x8xf32>
    %squeeze3A_4 = vector.shape_cast %slice3A_3 : vector<1x10112x8xf32> to vector<10112x8xf32>
    %add3A = arith.addf %squeeze3A, %squeeze3A_4 : vector<10112x8xf32>
    %slice3A_5 = vector.extract_strided_slice %add3A {offsets = [0, 0], sizes = [10000, 1], strides = [1, 1]} : vector<10112x8xf32> to vector<10000x1xf32>
    %add3A_6 = arith.constant 1.000000e+00 : f32
    %add3A_7 = vector.broadcast %add3A_6 : f32 to vector<10000x1xf32>
    %add3A_8 = arith.addf %slice3A_5, %add3A_7 : vector<10000x1xf32>
    %rsqrt3A = math.rsqrt %add3A_8 : vector<10000x1xf32>
    %get3A_9 = arith.constant 0 : index
    %get3A_10 = arith.constant 0 : index
    %get3A_11 = vector.load %arg0[%get3A_9, %get3A_10] : memref<10000x128xf32, #tpu.memory_space<vmem>>, vector<10000x128xf32>
    %get3A_12 = arith.constant 0 : index
    %get3A_13 = arith.constant 0 : index
    %get3A_14 = vector.load %arg1[%get3A_12, %get3A_13] : memref<128x64xf32, #tpu.memory_space<vmem>>, vector<128x64xf32>
    %dot_general3A = arith.constant dense<0.000000e+00> : vector<10000x64xf32>
    %dot_general3A_15 = tpu.matmul %get3A_11, %get3A_14, %dot_general3A {dimension_numbers = #tpu.dot_dimension_numbers<[1], [0], [0], [1], [0, 0, 1, 1], [], []>, transpose_lhs_hint = false} : vector<10000x128xf32>, vector<128x64xf32>, vector<10000x64xf32> -> vector<10000x64xf32>
    %mul3A = vector.broadcast %rsqrt3A : vector<10000x1xf32> to vector<10000x64xf32>
    %mul3A_16 = arith.mulf %dot_general3A_15, %mul3A : vector<10000x64xf32>
    %swap3A = arith.constant 0 : index
    %swap3A_17 = arith.constant 0 : index
    %swap3A_18 = vector.load %arg3[%swap3A, %swap3A_17] : memref<10000x64xf32, #tpu.memory_space<vmem>>, vector<10000x64xf32>
    tpu.vector_store %arg3[%swap3A, %swap3A_17], %mul3A_16 {strides = array<i32>} : memref<10000x64xf32, #tpu.memory_space<vmem>>, vector<10000x64xf32>,
    %swap3A_19 = arith.constant 0 : index
    %swap3A_20 = arith.constant 0 : index
    %swap3A_21 = vector.load %arg4[%swap3A_19, %swap3A_20] : memref<10000x1xf32, #tpu.memory_space<vmem>>, vector<10000x1xf32>
    tpu.vector_store %arg4[%swap3A_19, %swap3A_20], %rsqrt3A {strides = array<i32>} : memref<10000x1xf32, #tpu.memory_space<vmem>>, vector<10000x1xf32>,
    return
  }
}

module attributes {stable_mosaic.version = 14 : i64} {
  func.func @body(%arg0: memref<2x10112x64xf32, #tpu.memory_space<vmem>>, %arg1: memref<10000x64xf32, #tpu.memory_space<vmem>>, %arg2: memref<10000x1xf32, #tpu.memory_space<vmem>>, %arg3: memref<1x64xf32, #tpu.memory_space<vmem>>, %arg4: memref<1x64xf32, #tpu.memory_space<vmem>>, %arg5: memref<1x64xf32, #tpu.memory_space<vmem>>, %arg6: memref<64x64xf32, #tpu.memory_space<vmem>>, %arg7: memref<10000x64xf32, #tpu.memory_space<vmem>>) attributes {dimension_semantics = [], scalar_prefetch = 0 : i64, scratch_operands = 0 : i64, tpu.core_type = #tpu.core_type<tc>} {
    %get3A = arith.constant 0 : index
    %get3A_0 = arith.constant 0 : index
    %get3A_1 = arith.constant 0 : index
    %get3A_2 = vector.load %arg0[%get3A, %get3A_0, %get3A_1] : memref<2x10112x64xf32, #tpu.memory_space<vmem>>, vector<2x10112x64xf32>
    %get3A_3 = arith.constant 0 : index
    %get3A_4 = arith.constant 0 : index
    %get3A_5 = vector.load %arg2[%get3A_3, %get3A_4] : memref<10000x1xf32, #tpu.memory_space<vmem>>, vector<10000x1xf32>
    %slice3A = vector.extract_strided_slice %get3A_2 {offsets = [0, 0, 0], sizes = [1, 10112, 64], strides = [1, 1, 1]} : vector<2x10112x64xf32> to vector<1x10112x64xf32>
    %squeeze3A = vector.shape_cast %slice3A : vector<1x10112x64xf32> to vector<10112x64xf32>
    %slice3A_6 = vector.extract_strided_slice %get3A_2 {offsets = [1, 0, 0], sizes = [1, 10112, 64], strides = [1, 1, 1]} : vector<2x10112x64xf32> to vector<1x10112x64xf32>
    %squeeze3A_7 = vector.shape_cast %slice3A_6 : vector<1x10112x64xf32> to vector<10112x64xf32>
    %add3A = arith.addf %squeeze3A, %squeeze3A_7 : vector<10112x64xf32>
    %slice3A_8 = vector.extract_strided_slice %add3A {offsets = [0, 0], sizes = [10000, 64], strides = [1, 1]} : vector<10112x64xf32> to vector<10000x64xf32>
    %get3A_9 = arith.constant 0 : index
    %get3A_10 = arith.constant 0 : index
    %get3A_11 = vector.load %arg1[%get3A_9, %get3A_10] : memref<10000x64xf32, #tpu.memory_space<vmem>>, vector<10000x64xf32>
    %add3A_12 = arith.addf %slice3A_8, %get3A_11 : vector<10000x64xf32>
    %mul3A = vector.broadcast %get3A_5 : vector<10000x1xf32> to vector<10000x64xf32>
    %mul3A_13 = arith.mulf %add3A_12, %mul3A : vector<10000x64xf32>
    %get3A_14 = arith.constant 0 : index
    %get3A_15 = arith.constant 0 : index
    %get3A_16 = vector.load %arg3[%get3A_14, %get3A_15] : memref<1x64xf32, #tpu.memory_space<vmem>>, vector<1x64xf32>
    %add3A_17 = vector.broadcast %get3A_16 : vector<1x64xf32> to vector<10000x64xf32>
    %add3A_18 = arith.addf %mul3A_13, %add3A_17 : vector<10000x64xf32>
    %reduce_sum3A = arith.constant dense<0.000000e+00> : vector<64xf32>
    %reduce_sum3A_19 = vector.multi_reduction <add>, %add3A_18, %reduce_sum3A [0] : vector<10000x64xf32> to vector<64xf32>
    %broadcast_in_dim3A = vector.shape_cast %reduce_sum3A_19 : vector<64xf32> to vector<1x64xf32>
    %div3A = arith.constant 1.000000e+04 : f32
    %div3A_20 = vector.broadcast %div3A : f32 to vector<1x64xf32>
    %div3A_21 = arith.divf %broadcast_in_dim3A, %div3A_20 : vector<1x64xf32>
    %sub3A = vector.broadcast %div3A_21 : vector<1x64xf32> to vector<10000x64xf32>
    %sub3A_22 = arith.subf %add3A_18, %sub3A : vector<10000x64xf32>
    %integer_pow3A = arith.mulf %sub3A_22, %sub3A_22 : vector<10000x64xf32>
    %reduce_sum3A_23 = arith.constant dense<0.000000e+00> : vector<64xf32>
    %reduce_sum3A_24 = vector.multi_reduction <add>, %integer_pow3A, %reduce_sum3A_23 [0] : vector<10000x64xf32> to vector<64xf32>
    %broadcast_in_dim3A_25 = vector.shape_cast %reduce_sum3A_24 : vector<64xf32> to vector<1x64xf32>
    %div3A_26 = arith.constant 1.000000e+04 : f32
    %div3A_27 = vector.broadcast %div3A_26 : f32 to vector<1x64xf32>
    %div3A_28 = arith.divf %broadcast_in_dim3A_25, %div3A_27 : vector<1x64xf32>
    %sub3A_29 = vector.broadcast %div3A_21 : vector<1x64xf32> to vector<10000x64xf32>
    %sub3A_30 = arith.subf %add3A_18, %sub3A_29 : vector<10000x64xf32>
    %add3A_31 = arith.constant 9.99999974E-6 : f32
    %add3A_32 = vector.broadcast %add3A_31 : f32 to vector<1x64xf32>
    %add3A_33 = arith.addf %div3A_28, %add3A_32 : vector<1x64xf32>
    %rsqrt3A = math.rsqrt %add3A_33 : vector<1x64xf32>
    %mul3A_34 = vector.broadcast %rsqrt3A : vector<1x64xf32> to vector<10000x64xf32>
    %mul3A_35 = arith.mulf %sub3A_30, %mul3A_34 : vector<10000x64xf32>
    %get3A_36 = arith.constant 0 : index
    %get3A_37 = arith.constant 0 : index
    %get3A_38 = vector.load %arg4[%get3A_36, %get3A_37] : memref<1x64xf32, #tpu.memory_space<vmem>>, vector<1x64xf32>
    %mul3A_39 = vector.broadcast %get3A_38 : vector<1x64xf32> to vector<10000x64xf32>
    %mul3A_40 = arith.mulf %mul3A_35, %mul3A_39 : vector<10000x64xf32>
    %get3A_41 = arith.constant 0 : index
    %get3A_42 = arith.constant 0 : index
    %get3A_43 = vector.load %arg5[%get3A_41, %get3A_42] : memref<1x64xf32, #tpu.memory_space<vmem>>, vector<1x64xf32>
    %add3A_44 = vector.broadcast %get3A_43 : vector<1x64xf32> to vector<10000x64xf32>
    %add3A_45 = arith.addf %mul3A_40, %add3A_44 : vector<10000x64xf32>
    %max3A = arith.constant 0.000000e+00 : f32
    %max3A_46 = vector.broadcast %max3A : f32 to vector<10000x64xf32>
    %max3A_47 = arith.maximumf %add3A_45, %max3A_46 : vector<10000x64xf32>
    %get3A_48 = arith.constant 0 : index
    %get3A_49 = arith.constant 0 : index
    %get3A_50 = vector.load %arg6[%get3A_48, %get3A_49] : memref<64x64xf32, #tpu.memory_space<vmem>>, vector<64x64xf32>
    %dot_general3A = arith.constant dense<0.000000e+00> : vector<10000x64xf32>
    %dot_general3A_51 = tpu.matmul %max3A_47, %get3A_50, %dot_general3A {dimension_numbers = #tpu.dot_dimension_numbers<[1], [0], [0], [1], [0, 0, 1, 1], [], []>, transpose_lhs_hint = false} : vector<10000x64xf32>, vector<64x64xf32>, vector<10000x64xf32> -> vector<10000x64xf32>
    %mul3A_52 = vector.broadcast %get3A_5 : vector<10000x1xf32> to vector<10000x64xf32>
    %mul3A_53 = arith.mulf %dot_general3A_51, %mul3A_52 : vector<10000x64xf32>
    %swap3A = arith.constant 0 : index
    %swap3A_54 = arith.constant 0 : index
    %swap3A_55 = vector.load %arg7[%swap3A, %swap3A_54] : memref<10000x64xf32, #tpu.memory_space<vmem>>, vector<10000x64xf32>
    tpu.vector_store %arg7[%swap3A, %swap3A_54], %mul3A_53 {strides = array<i32>} : memref<10000x64xf32, #tpu.memory_space<vmem>>, vector<10000x64xf32>,
    return
  }
}

module attributes {stable_mosaic.version = 14 : i64} {
  func.func @body(%arg0: memref<2x10112x64xf32, #tpu.memory_space<vmem>>, %arg1: memref<10000x64xf32, #tpu.memory_space<vmem>>, %arg2: memref<10000x1xf32, #tpu.memory_space<vmem>>, %arg3: memref<1x64xf32, #tpu.memory_space<vmem>>, %arg4: memref<1x64xf32, #tpu.memory_space<vmem>>, %arg5: memref<1x64xf32, #tpu.memory_space<vmem>>, %arg6: memref<10000x1xi32, #tpu.memory_space<vmem>>, %arg7: memref<192x3xf32, #tpu.memory_space<vmem>>, %arg8: memref<1x3xf32, #tpu.memory_space<vmem>>, %arg9: memref<64x3xf32, #tpu.memory_space<vmem>>, %arg10: memref<64x64xf32, #tpu.memory_space<vmem>>) attributes {dimension_semantics = [], scalar_prefetch = 0 : i64, scratch_operands = 1 : i64, tpu.core_type = #tpu.core_type<tc>} {
    %get3A = arith.constant 0 : index
    %get3A_0 = arith.constant 0 : index
    %get3A_1 = arith.constant 0 : index
    %get3A_2 = vector.load %arg0[%get3A, %get3A_0, %get3A_1] : memref<2x10112x64xf32, #tpu.memory_space<vmem>>, vector<2x10112x64xf32>
    %slice3A = vector.extract_strided_slice %get3A_2 {offsets = [0, 0, 0], sizes = [1, 10112, 64], strides = [1, 1, 1]} : vector<2x10112x64xf32> to vector<1x10112x64xf32>
    %squeeze3A = vector.shape_cast %slice3A : vector<1x10112x64xf32> to vector<10112x64xf32>
    %slice3A_3 = vector.extract_strided_slice %get3A_2 {offsets = [1, 0, 0], sizes = [1, 10112, 64], strides = [1, 1, 1]} : vector<2x10112x64xf32> to vector<1x10112x64xf32>
    %squeeze3A_4 = vector.shape_cast %slice3A_3 : vector<1x10112x64xf32> to vector<10112x64xf32>
    %add3A = arith.addf %squeeze3A, %squeeze3A_4 : vector<10112x64xf32>
    %slice3A_5 = vector.extract_strided_slice %add3A {offsets = [0, 0], sizes = [10000, 64], strides = [1, 1]} : vector<10112x64xf32> to vector<10000x64xf32>
    %get3A_6 = arith.constant 0 : index
    %get3A_7 = arith.constant 0 : index
    %get3A_8 = vector.load %arg1[%get3A_6, %get3A_7] : memref<10000x64xf32, #tpu.memory_space<vmem>>, vector<10000x64xf32>
    %add3A_9 = arith.addf %slice3A_5, %get3A_8 : vector<10000x64xf32>
    %get3A_10 = arith.constant 0 : index
    %get3A_11 = arith.constant 0 : index
    %get3A_12 = vector.load %arg2[%get3A_10, %get3A_11] : memref<10000x1xf32, #tpu.memory_space<vmem>>, vector<10000x1xf32>
    %mul3A = vector.broadcast %get3A_12 : vector<10000x1xf32> to vector<10000x64xf32>
    %mul3A_13 = arith.mulf %add3A_9, %mul3A : vector<10000x64xf32>
    %get3A_14 = arith.constant 0 : index
    %get3A_15 = arith.constant 0 : index
    %get3A_16 = vector.load %arg3[%get3A_14, %get3A_15] : memref<1x64xf32, #tpu.memory_space<vmem>>, vector<1x64xf32>
    %add3A_17 = vector.broadcast %get3A_16 : vector<1x64xf32> to vector<10000x64xf32>
    %add3A_18 = arith.addf %mul3A_13, %add3A_17 : vector<10000x64xf32>
    %reduce_sum3A = arith.constant dense<0.000000e+00> : vector<64xf32>
    %reduce_sum3A_19 = vector.multi_reduction <add>, %add3A_18, %reduce_sum3A [0] : vector<10000x64xf32> to vector<64xf32>
    %broadcast_in_dim3A = vector.shape_cast %reduce_sum3A_19 : vector<64xf32> to vector<1x64xf32>
    %div3A = arith.constant 1.000000e+04 : f32
    %div3A_20 = vector.broadcast %div3A : f32 to vector<1x64xf32>
    %div3A_21 = arith.divf %broadcast_in_dim3A, %div3A_20 : vector<1x64xf32>
    %sub3A = vector.broadcast %div3A_21 : vector<1x64xf32> to vector<10000x64xf32>
    %sub3A_22 = arith.subf %add3A_18, %sub3A : vector<10000x64xf32>
    %integer_pow3A = arith.mulf %sub3A_22, %sub3A_22 : vector<10000x64xf32>
    %reduce_sum3A_23 = arith.constant dense<0.000000e+00> : vector<64xf32>
    %reduce_sum3A_24 = vector.multi_reduction <add>, %integer_pow3A, %reduce_sum3A_23 [0] : vector<10000x64xf32> to vector<64xf32>
    %broadcast_in_dim3A_25 = vector.shape_cast %reduce_sum3A_24 : vector<64xf32> to vector<1x64xf32>
    %div3A_26 = arith.constant 1.000000e+04 : f32
    %div3A_27 = vector.broadcast %div3A_26 : f32 to vector<1x64xf32>
    %div3A_28 = arith.divf %broadcast_in_dim3A_25, %div3A_27 : vector<1x64xf32>
    %sub3A_29 = vector.broadcast %div3A_21 : vector<1x64xf32> to vector<10000x64xf32>
    %sub3A_30 = arith.subf %add3A_18, %sub3A_29 : vector<10000x64xf32>
    %add3A_31 = arith.constant 9.99999974E-6 : f32
    %add3A_32 = vector.broadcast %add3A_31 : f32 to vector<1x64xf32>
    %add3A_33 = arith.addf %div3A_28, %add3A_32 : vector<1x64xf32>
    %rsqrt3A = math.rsqrt %add3A_33 : vector<1x64xf32>
    %mul3A_34 = vector.broadcast %rsqrt3A : vector<1x64xf32> to vector<10000x64xf32>
    %mul3A_35 = arith.mulf %sub3A_30, %mul3A_34 : vector<10000x64xf32>
    %get3A_36 = arith.constant 0 : index
    %get3A_37 = arith.constant 0 : index
    %get3A_38 = vector.load %arg4[%get3A_36, %get3A_37] : memref<1x64xf32, #tpu.memory_space<vmem>>, vector<1x64xf32>
    %mul3A_39 = vector.broadcast %get3A_38 : vector<1x64xf32> to vector<10000x64xf32>
    %mul3A_40 = arith.mulf %mul3A_35, %mul3A_39 : vector<10000x64xf32>
    %get3A_41 = arith.constant 0 : index
    %get3A_42 = arith.constant 0 : index
    %get3A_43 = vector.load %arg5[%get3A_41, %get3A_42] : memref<1x64xf32, #tpu.memory_space<vmem>>, vector<1x64xf32>
    %add3A_44 = vector.broadcast %get3A_43 : vector<1x64xf32> to vector<10000x64xf32>
    %add3A_45 = arith.addf %mul3A_40, %add3A_44 : vector<10000x64xf32>
    %max3A = arith.constant 0.000000e+00 : f32
    %max3A_46 = vector.broadcast %max3A : f32 to vector<10000x64xf32>
    %max3A_47 = arith.maximumf %add3A_45, %max3A_46 : vector<10000x64xf32>
    %iota3A = tpu.iota {dimensions = array<i32: 1>} : vector<1x64xi32>
    %get3A_48 = arith.constant 0 : index
    %get3A_49 = arith.constant 0 : index
    %get3A_50 = vector.load %arg6[%get3A_48, %get3A_49] : memref<10000x1xi32, #tpu.memory_space<vmem>>, vector<10000x1xi32>
    %eq3A = vector.broadcast %get3A_50 : vector<10000x1xi32> to vector<10000x64xi32>
    %eq3A_51 = vector.broadcast %iota3A : vector<1x64xi32> to vector<10000x64xi32>
    %eq3A_52 = arith.cmpi eq, %eq3A, %eq3A_51 : vector<10000x64xi32>
    %convert_element_type3A = arith.extui %eq3A_52 : vector<10000x64xi1> to vector<10000x64xi32>
    %convert_element_type3A_53 = arith.sitofp %convert_element_type3A : vector<10000x64xi32> to vector<10000x64xf32>
    %dot_general3A = arith.constant dense<0.000000e+00> : vector<64x64xf32>
    %dot_general3A_54 = tpu.matmul %convert_element_type3A_53, %max3A_47, %dot_general3A {dimension_numbers = #tpu.dot_dimension_numbers<[0], [0], [1], [1], [0, 1, 1, 1], [], []>, transpose_lhs_hint = false} : vector<10000x64xf32>, vector<10000x64xf32>, vector<64x64xf32> -> vector<64x64xf32>
    %broadcast_in_dim3A_55 = arith.constant 1.000000e+00 : f32
    %broadcast_in_dim3A_56 = vector.broadcast %broadcast_in_dim3A_55 : f32 to vector<10000x1xf32>
    %dot_general3A_57 = arith.constant dense<0.000000e+00> : vector<64x1xf32>
    %dot_general3A_58 = tpu.matmul %convert_element_type3A_53, %broadcast_in_dim3A_56, %dot_general3A_57 {dimension_numbers = #tpu.dot_dimension_numbers<[0], [0], [1], [1], [0, 1, 1, 1], [], []>, transpose_lhs_hint = false} : vector<10000x64xf32>, vector<10000x1xf32>, vector<64x1xf32> -> vector<64x1xf32>
    %max3A_59 = arith.constant 1.000000e+00 : f32
    %max3A_60 = vector.broadcast %max3A_59 : f32 to vector<64x1xf32>
    %max3A_61 = arith.maximumf %dot_general3A_58, %max3A_60 : vector<64x1xf32>
    %div3A_62 = vector.broadcast %max3A_61 : vector<64x1xf32> to vector<64x64xf32>
    %div3A_63 = arith.divf %dot_general3A_54, %div3A_62 : vector<64x64xf32>
    %scan3A = arith.constant 0 : i32
    %scan3A_64 = arith.constant 64 : i32
    %scan3A_65 = arith.addi %scan3A, %scan3A_64 : i32
    %scan3A_66 = arith.constant 1 : i32
    scf.for %scan3A_83 = %scan3A to %scan3A_65 step %scan3A_66  : i32 {
      %eq3A_84 = vector.broadcast %scan3A_83 : i32 to vector<10000x1xi32>
      %eq3A_85 = arith.cmpi eq, %get3A_50, %eq3A_84 : vector<10000x1xi32>
      %convert_element_type3A_86 = arith.extui %eq3A_85 : vector<10000x1xi1> to vector<10000x1xi32>
      %convert_element_type3A_87 = arith.sitofp %convert_element_type3A_86 : vector<10000x1xi32> to vector<10000x1xf32>
      %mul3A_88 = vector.broadcast %convert_element_type3A_87 : vector<10000x1xf32> to vector<10000x64xf32>
      %mul3A_89 = arith.mulf %max3A_47, %mul3A_88 : vector<10000x64xf32>
      %reduce_max3A = arith.constant dense<0xFF800000> : vector<64xf32>
      %reduce_max3A_90 = vector.multi_reduction <maximumf>, %mul3A_89, %reduce_max3A [0] : vector<10000x64xf32> to vector<64xf32>
      %broadcast_in_dim3A_91 = vector.shape_cast %reduce_max3A_90 : vector<64xf32> to vector<1x64xf32>
      %swap3A_92 = arith.index_cast %scan3A_83 : i32 to index
      %swap3A_93 = arith.constant 0 : index
      %swap3A_94 = vector.load %arg10[%swap3A_92, %swap3A_93] : memref<64x64xf32, #tpu.memory_space<vmem>>, vector<1x64xf32>
      tpu.vector_store %arg10[%swap3A_92, %swap3A_93], %broadcast_in_dim3A_91 {strides = array<i32>} : memref<64x64xf32, #tpu.memory_space<vmem>>, vector<1x64xf32>,
    }
    %scan3A_67 = arith.constant 64 : i32
    %get3A_68 = arith.constant 0 : index
    %get3A_69 = arith.constant 0 : index
    %get3A_70 = vector.load %arg10[%get3A_68, %get3A_69] : memref<64x64xf32, #tpu.memory_space<vmem>>, vector<64x64xf32>
    %concatenate3A = tpu.concatenate %div3A_63, %get3A_70, %dot_general3A_54 in 1 : vector<64x64xf32>, vector<64x64xf32>, vector<64x64xf32> -> vector<64x192xf32>
    %get3A_71 = arith.constant 0 : index
    %get3A_72 = arith.constant 0 : index
    %get3A_73 = vector.load %arg7[%get3A_71, %get3A_72] : memref<192x3xf32, #tpu.memory_space<vmem>>, vector<192x3xf32>
    %dot_general3A_74 = arith.constant dense<0.000000e+00> : vector<64x3xf32>
    %dot_general3A_75 = tpu.matmul %concatenate3A, %get3A_73, %dot_general3A_74 {dimension_numbers = #tpu.dot_dimension_numbers<[1], [0], [0], [1], [0, 0, 1, 1], [], []>, transpose_lhs_hint = false} : vector<64x192xf32>, vector<192x3xf32>, vector<64x3xf32> -> vector<64x3xf32>
    %get3A_76 = arith.constant 0 : index
    %get3A_77 = arith.constant 0 : index
    %get3A_78 = vector.load %arg8[%get3A_76, %get3A_77] : memref<1x3xf32, #tpu.memory_space<vmem>>, vector<1x3xf32>
    %add3A_79 = vector.broadcast %get3A_78 : vector<1x3xf32> to vector<64x3xf32>
    %add3A_80 = arith.addf %dot_general3A_75, %add3A_79 : vector<64x3xf32>
    %swap3A = arith.constant 0 : index
    %swap3A_81 = arith.constant 0 : index
    %swap3A_82 = vector.load %arg9[%swap3A, %swap3A_81] : memref<64x3xf32, #tpu.memory_space<vmem>>, vector<64x3xf32>
    tpu.vector_store %arg9[%swap3A, %swap3A_81], %add3A_80 {strides = array<i32>} : memref<64x3xf32, #tpu.memory_space<vmem>>, vector<64x3xf32>,
    return
  }
}

</mosaic_0001>

<sc_bundles>
// kernel: kernel.11.cloned.1.call-start
scs
__scs_entry_jumppad:
0x0: {  	(pc) =	sbr.rel $0x88, $3  }
0x1: {  	(tag) =	ssettag $0x0;
	lr =	simm.s32 $0x1  }
0x2: {  	[smem:$0x3F94] =	sst lr;
	_ =	strace $0xD0000000  }
0x3: {  	_ = 	snop  }
0x4: {  	_ = 	snop  }
0x5: {  	_ = 	snop  }
0x6: {  	_ = 	snop  }
0x7: {  	_ = 	snop  }
__scs_overlays_trampoline_lowered:
0x8: {  	[smem:$0x3FA3] =	sst s0  }
0x9: {  	[smem:$0x3FA4] =	sst s1  }
0xa: {  	[smem:$0x3FA5] =	sst s2  }
0xb: {  	[smem:$0x3FA6] =	sst s3  }
0xc: {  	[smem:$0x3FA7] =	sst s4  }
0xd: {  	[smem:$0x3FA8] =	sst s5  }
0xe: {  	[smem:$0x3FA9] =	sst s6  }
0xf: {  	[smem:$0x3FAA] =	sst s7  }
0x10: {  	[smem:$0x3FAB] =	sst s8  }
0x11: {  	[smem:$0x3FAC] =	sst s9;
	s0 =	simm.s32 @!p0 $0x0  }
0x12: {  	s1 =	sld [smem:$0x3F92];
	s0 =	simm.s32 @p0 $0x1  }
0x13: {  	[smem:$0x3FAD] =	sst s0;
	s0 =	simm.s32 @!p1 $0x0  }
0x14: {  	s2 =	sld [smem:$0x3F91];
	s0 =	simm.s32 @p1 $0x1  }
0x15: {  	[smem:$0x3FAE] =	sst s0;
	s0 =	simm.s32 @!p2 $0x0  }
0x16: {  	s3 =	sld [smem:$0x3FDB];
	s0 =	simm.s32 @p2 $0x1  }
0x17: {  	s4 =	simm.s32 $0x1BF5;
	[smem:$0x3FB0] =	sst s0  }
0x18: {  	s0 =	sld [smem:$0x3F93];
	_ =	swait.ge [sflag:s4], $0x0  }
0x19: {  	s7 =	sld [smem:$0x3F94]  }
0x1a: {  	s8 =	sadd.s32 $0xFFFFE003, lr  }
0x1b: {  	s9 =	sadd.s32 $0xFFFFFEF7, lr;
	s5 =	simm.s32 $0xFFFFFFFF;
	p2 =	slt.u32 s8, $0xFFFFF086  }
0x1c: {  	p1 =	slt.u32 s9, $0xF7A;
	s5 =	simm.s32 @!p2 $0x0  }
0x1d: {  	s5 =	simm.s32 @p1 $0x1;
	p0 =	seq.s32 s7, s2  }
0x1e: {  	s7 =	smul.u32 @!p0 $0xF7A, s2;
	p2 =	seq.s32 @!p0 s5, $0x0  }
0x1f: {  	s9 =	smul.u32 $0xF7A, s1;
	s8 =	simm.s32 @!p0 $0x1BF5;
	p2 =	por !p2, p0  }
0x20: {  	[sflag:s8] =	ssyncset.s32 @!p0 $0xFFFFF086;
	s6 =	sadd.s32 @!p0 s3, s7;
	s7 =	simm.s32 @!p0 $0x108  }
0x21: {  	s3 =	sadd.s32 s3, s9;
	s6 =	sadd.s32 @!p0 $0x88, s6;
	s7 =	simm.s32 @p2 $0x1082  }
0x22: {  	[simem:s7], [sflag:s8] =	dma.local @!p0 [hbm:s6], $0xF7A  }
0x23: {  	s9 =	sor.u32 $0xD0000000, s2;
	s6 =	simm.s32 $0x108;
	_ =	swait.ge @!p0 [sflag:s8], $0x0  }
0x24: {  	s3 =	sadd.s32 $0x88, s3;
	s6 =	simm.s32 @!p1 $0x1082;
	[sflag:s4] =	ssyncset.s32 $0xFFFFF086  }
0x25: {  	[simem:s6], [sflag:s4] =	dma.local [hbm:s3], $0xF7A  }
0x26: {  	[smem:$0x3F94] =	sst s1;
	(tag) =	ssettag s2;
	_ =	strace s9  }
0x27: {  	s1 =	sld [smem:$0x3FA4]  }
0x28: {  	s2 =	sld [smem:$0x3FA5]  }
0x29: {  	s4 =	sld [smem:$0x3FA7]  }
0x2a: {  	p0 =	seq.s32 s5, $0x0;
	s5 =	sld [smem:$0x3FA8]  }
0x2b: {  	s6 =	sld [smem:$0x3FA9]  }
0x2c: {  	s7 =	sld [smem:$0x3FAA]  }
0x2d: {  	s3 =	simm.s32 $0x108;
	s8 =	sld [smem:$0x3FAB]  }
0x2e: {  	s3 =	simm.s32 @!p0 $0x1082;
	s9 =	sld [smem:$0x3FAC]  }
0x2f: {  	lr =	sadd.s32 s0, s3;
	s0 =	sld [smem:$0x3FA3]  }
0x30: {  	s3 =	sld [smem:$0x3FA6]  }
0x31: {  	[smem:$0x3FAF] =	sst s10  }
0x32: {  	s10 =	sld [smem:$0x3FAD];
	_ =	sdelay $0x3  }
0x33: {  	p0 =	seq.s32 s10, $0x1;
	s10 =	sld [smem:$0x3FAF];
	_ =	sdelay $0x3  }
0x34: {  	[smem:$0x3FAF] =	sst s10  }
0x35: {  	s10 =	sld [smem:$0x3FAE];
	_ =	sdelay $0x3  }
0x36: {  	p1 =	seq.s32 s10, $0x1;
	s10 =	sld [smem:$0x3FAF];
	_ =	sdelay $0x3  }
0x37: {  	[smem:$0x3FAF] =	sst s10  }
0x38: {  	s10 =	sld [smem:$0x3FB0]  }
0x39: {  	_ = 	snop;
	(pc) =	sbr.ind lr, $3  }
0x3a: {  	_ = 	snop  }
0x3b: {  	_ = 	snop  }
0x3c: {  	p2 =	seq.s32 s10, $0x1;
	s10 =	sld [smem:$0x3FAF]  }
0x3d: {  	_ =	shalt  }
0x3e: {  	_ =	shalt  }
0x3f: {  	_ =	shalt  }
0x40: {  	_ =	shalt  }
0x41: {  	_ =	shalt  }
0x42: {  	_ =	shalt  }
0x43: {  	_ =	shalt  }
0x44: {  	_ =	shalt  }
0x45: {  	_ =	shalt  }
0x46: {  	_ =	shalt  }
0x47: {  	_ =	shalt  }
0x48: {  	_ =	shalt  }
0x49: {  	_ =	shalt  }
0x4a: {  	_ =	shalt  }
0x4b: {  	_ =	shalt  }
0x4c: {  	_ =	shalt  }
0x4d: {  	_ =	shalt  }
0x4e: {  	_ =	shalt  }
0x4f: {  	_ =	shalt  }
0x50: {  	_ =	shalt  }
0x51: {  	_ =	shalt  }
0x52: {  	_ =	shalt  }
0x53: {  	_ =	shalt  }
0x54: {  	_ =	shalt  }
0x55: {  	_ =	shalt  }
0x56: {  	_ =	shalt  }
0x57: {  	_ =	shalt  }
0x58: {  	_ =	shalt  }
0x59: {  	_ =	shalt  }
0x5a: {  	_ =	shalt  }
0x5b: {  	_ =	shalt  }
0x5c: {  	_ =	shalt  }
0x5d: {  	_ =	shalt  }
0x5e: {  	_ =	shalt  }
0x5f: {  	_ =	shalt  }
0x60: {  	_ =	shalt  }
0x61: {  	_ =	shalt  }
0x62: {  	_ =	shalt  }
0x63: {  	_ =	shalt  }
0x64: {  	_ =	shalt  }
0x65: {  	_ =	shalt  }
0x66: {  	_ =	shalt  }
0x67: {  	_ =	shalt  }
0x68: {  	_ =	shalt  }
0x69: {  	_ =	shalt  }
0x6a: {  	_ =	shalt  }
0x6b: {  	_ =	shalt  }
0x6c: {  	_ =	shalt  }
0x6d: {  	_ =	shalt  }
0x6e: {  	_ =	shalt  }
0x6f: {  	_ =	shalt  }
0x70: {  	_ =	shalt  }
0x71: {  	_ =	shalt  }
0x72: {  	_ =	shalt  }
0x73: {  	_ =	shalt  }
0x74: {  	_ =	shalt  }
0x75: {  	_ =	shalt  }
0x76: {  	_ =	shalt  }
0x77: {  	_ =	shalt  }
0x78: {  	_ =	shalt  }
0x79: {  	_ =	shalt  }
0x7a: {  	_ =	shalt  }
0x7b: {  	_ =	shalt  }
0x7c: {  	_ =	shalt  }
0x7d: {  	_ =	shalt  }
0x7e: {  	_ =	shalt  }
0x7f: {  	_ =	shalt  }
0x80: {  	_ =	shalt  }
0x81: {  	_ =	shalt  }
0x82: {  	_ =	shalt  }
0x83: {  	_ =	shalt  }
0x84: {  	_ =	shalt  }
0x85: {  	_ =	shalt  }
0x86: {  	_ =	shalt  }
0x87: {  	_ =	shalt  }
.Lfunc_end0:
.L_simem_size_0:
called_computation.1_lowered:
.L_overlay_start_0:
0x88: {  	s2 =	sld [smem:$0x3FD9]  }
0x89: {  	s3 =	sld [smem:$0x3FFE];
	_ =	sdelay $0x1  }
0x8a: {  	s1 =	srdreg.scid  }
0x8b: {  	s0 =	sand.u32 $0x1, s1  }
0x8c: {  	s16 =	sshll.u32 s0, $0xA;
	s2 =	sadd.s32 s3, s2  }
0x8d: {  	s2 =	sadd.s32 s2, s16  }
0x8e: {  	[smem:$0x3FBB] =	sst s2  }
0x8f: {  	_ = 	snop  }
0x90: {  	(tm) =	ssettm $0x1  }
0x91: {  	s17 =	sld [smem:$0x3FFB];
	_ =	sdelay $0x3  }
0x92: {  	_ =	strace s17  }
0x93: {  	s2 =	sld [smem:$0x3FFC];
	_ =	sdelay $0x3  }
0x94: {  	_ =	strace s2  }
0x95: {  	s2 =	sld [smem:$0x3FFD];
	_ =	sdelay $0x3  }
0x96: {  	_ =	strace s2  }
0x97: {  	_ =	strace $0x8FFFFFFF  }
0x98: {  	s18 =	sld [smem:$0x3FDB];
	_ =	sdelay $0x1  }
0x99: {  	s19 =	simm.s32 $_scs_section_size  }
0x9a: {  	s4 =	simm.s32 $_size__tile_overlayer_lowered;
	s5 =	simm.s32 $_tile_overlayer_lowered  }
0x9b: {  	s22 =	simm.s32 $0x1BFF;
	s21 =	sshll.u32 s5, $0x1;
	s2 =	sadd.s32 s19, s18  }
0x9c: {  	s6 =	simm.s32 $0x0;
	s20 =	sshll.u32 s4, $0x1;
	s4 =	sadd.s32 s21, s2  }
0x9d: {  	[timem:s6], [sflag:s22] =	dma.local [hbm:s4], s20  }
0x9e: {  	_ =	swait.ge [sflag:s22], s20  }
0x9f: {  	s3 =	ssub.s32 $0x0, s20;
	[sflag:s22] =	ssyncset.done $0x0  }
0xa0: {  	[sflag:s22] =	ssyncadd.s32 s3;
	_ =	sdelay $0x1  }
0xa1: {  	s23 =	simm.s32 $0x1B8B  }
0xa2: {  	_ =	swait.ge [sflag:s23], $0x1  }
0xa3: {  	[sflag:s23] =	ssyncset.done $0x0  }
0xa4: {  	s25 =	simm.s32 $0x1B8E;
	s24 =	sld [smem:$0x3FFE];
	[sflag:s23] =	ssyncadd.s32 $0xFFFFFFFF  }
0xa5: {  	s26 =	simm.s32 $execute0_lowered;
	[smem:$0x3FD2] =	sst s25  }
0xa6: {  	s4 =	sshll.u32 s26, $0x1;
	_ =	strace $0x80000049;
	[dreg:$0x1] =	wrdreg $0xFFFFFFFF  }
0xa7: {  	s28 =	simm.s32 $_size_execute0_lowered;
	s2 =	sadd.s32 s2, s4;
	[dreg:$0x0] =	wrdreg $0x0  }
0xa8: {  	s4 =	sshll.u32 s28, $0x1;
	[dreg:$0x2] =	wrdreg s2  }
0xa9: {  	[dreg:$0x3] =	wrdreg s4  }
0xaa: {  	[dreg:$0x4] =	wrdreg $0xC0  }
0xab: {  	_ =	task [dreg:s6], $0x5FFFF  }
0xac: {  	[dreg:$0x1] =	wrdreg $0xFFFFFFFF  }
0xad: {  	[dreg:$0x0] =	wrdreg $0x60  }
0xae: {  	[dreg:$0x2] =	wrdreg s24  }
0xaf: {  	[dreg:$0x3] =	wrdreg $0x6F000  }
0xb0: {  	[dreg:$0x4] =	wrdreg $0x9  }
0xb1: {  	_ =	task.clear_ibuf [dreg:s6], $0x5FFFF;
	_ =	strace $0x90000049  }
0xb2: {  	s29 =	simm.s32 $0x9;
	_ =	strace $0x8000004B  }
0xb3: {  	_ =	swait.ge [sflag:s29], $0x1  }
0xb4: {  	[sflag:s29] =	ssyncadd.s32 $0xFFFFFFFF  }
0xb5: {  	_ =	strace $0x9000004B  }
0xb6: {  	_ =	sfence  }
0xb7: {  	s30 =	sld [smem:$0x0];
	_ =	sdelay $0x2  }
0xb8: {  	s31 =	sshll.u32 s1, $0xD;
	s1 =	sshrl.u32 s1, $0x2  }
0xb9: {  	s3 =	sand.u32 $0x4000, s31;
	s1 =	sadd.s32 s1, s30  }
0xba: {  	s0 =	sor.u32 s3, s0;
	s1 =	sshll.u32 s1, $0x11  }
0xbb: {  	s0 =	sor.u32 s1, s0  }
0xbc: {  	s0 =	sadd.s32 $0x8F2B, s0  }
0xbd: {  	[sflag:s0] =	ssyncadd.remote.s32 $0x1  }
0xbe: {  	_ =	sfence.sel $0xFFFF  }
0xbf: {  	[dreg:$0x0] =	wrdreg $0xFFFFFFFF;
	(pc) =	sbr.abs _section_cstart, $3  }
0xc0: {  	[dreg:$0x1] =	wrdreg $0xFFFFFFFF  }
0xc1: {  	_ =	task.clear_ibuf [dreg:s6], $0x2FFFF;
	_ =	strace $0x9FFFFFFF  }
0xc2: {  	(tm) =	ssettm $0x7FFFFFFF  }
0xc3: {  	_ =	shalt  }
tec
execute0_lowered:
.L_overlay_start_1:
0x0: {  	(tag) =	ssettag $0x1  }
0x1: {  	s6 =	rddreg [dreg:$0x0]  }
0x2: {  	s2 =	rddreg [dreg:$0x1]  }
0x3: {  	s0 =	rddreg [dreg:$0x2];
	s3 =	srdreg.scid  }
0x4: {  	s1 =	stileid.u32;
	s13 =	simm.s32 $0x2780;
	s14 =	simm.s32 $0x80  }
0x5: {  	s15 =	simm.s32 $0x4F00;
	s16 =	simm.s32 $0x1;
	s17 =	simm.s32 $0x0  }
0x6: {  	s5 =	sand.u32 $0x1, s3;
	s4 =	sshll.u32 s1, $0x1;
	s7 =	smul.u32 $0x9E00, s1  }
0x7: {  	s3 =	simm.s32 $0x0;
	s31 =	sshll.u32 s1, $0x6;
	s4 =	sor.u32 s5, s4  }
0x8: {  	s8 =	smul.u32 $0x9E000, s5;
	[smem:$0x7FF] =	sst s3;
	s10 =	ssub.s32 $0x2, s5  }
0x9: {  	s5 =	sadd.s32 $0xC200, s6;
	s9 =	smul.u32 $0x4F0, s4;
	_ =	strace $0x8000004A  }
0xa: {  	s4 =	sadd.s32 $0x1B600, s6;
	s30 =	sshrl.u32 s10, $0x1;
	s8 =	sadd.s32 s7, s8  }
0xb: {  	s12 =	sadd.s32 s7, s2;
	s10 =	ssub.s32 s10, s30;
	s8 =	sshrl.u32 s8, $0x3  }
0xc: {  	s9 =	sadd.s32 s9, s6;
	s10 =	smax.u32 s10, $0x1;
	s11 =	sadd.s32 s8, s6  }
0xd: {  	s6 =	sor.u32 $0x1C02, s31;
	s7 =	sadd.s32 $0x11800, s9;
	s8 =	sadd.s32 $0x2400, s9  }
0xe: {  	s9 =	sadd.s32 $0x2F000, s11;
	s11 =	sshrl.u32 s12, $0x3;
	s12 =	simm.s32 $0x2  }
.LBB2_1:
0xf: {  	[spmem:s11], [sflag:s6] =	dma.local [hbm:s5], $0x13C0  }
0x10: {  	_ =	swait.ge [sflag:s12], $0x13C0  }
0x11: {  	[sflag:s12] =	ssyncset.done $0x0  }
0x12: {  	[sflag:s12] =	ssyncadd.s32 $0xFFFFEC40  }
0x13: {  	[tilespmem:s3], [sflag:$0x2] =	stream.linear.gather [hbm4b:s7+s3], $0x2780, $0x38;
	[tilespmem:$0x10D00] =	vst v63  }
0x14: {  	_ =	swait.ge [sflag:s12], $0x2780  }
0x15: {  	[sflag:s12] =	ssyncset.done $0x0  }
0x16: {  	[sflag:s12] =	ssyncadd.s32 $0xFFFFD880  }
0x17: {  	[tilespmem:s13], [sflag:$0x2] =	stream.linear.gather [hbm4b:s8+s3], $0x2780, $0x38;
	[tilespmem:$0x10D00] =	vst v63  }
0x18: {  	_ =	swait.ge [sflag:s12], $0x2780  }
0x19: {  	[sflag:s12] =	ssyncset.done $0x0  }
0x1a: {  	[sflag:s12] =	ssyncadd.s32 $0xFFFFD880  }
0x1b: {  	s18 =	simm.s32 $0x0;
	[bflag:$0x0] =	sbarrier.arrive $0xFFFF  }
0x1c: {  	[tilespmem:s15], [sflag:$0x1] =	stream.indirect.gather [hbm4b:s4+s14], $0x40, s18, s14, $0xb8;
	[tilespmem:$0x10D00] =	vst v63  }
0x1d: {  	_ =	swait.ge [sflag:s16], $0x2000  }
0x1e: {  	[sflag:s16] =	ssyncset.done $0x0  }
0x1f: {  	s31 =	simm.s32 $0x2780;
	[sflag:s16] =	ssyncadd.s32 $0xFFFFE000  }
0x20: {  	[spmem:s2] =	stream.indirect.scatter.add.f32 [tilespmem:s15], [sflag:$0x2], $0x40, s31, s14, $0xb8;
	[tilespmem:$0x10D00] =	vst v63  }
0x21: {  	_ =	swait.ge [sflag:s12], $0x2000  }
0x22: {  	s19 =	simm.s32 $0x400;
	s18 =	simm.s32 $0x200;
	[sflag:s12] =	ssyncset.done $0x0  }
.LBB2_2:
0x23: {  	s20 =	sshra.s32 s18, $0x2  }
0x24: {  	[sflag:s12] =	ssyncadd.s32 $0xFFFFE000;
	s18 =	smov.u32 s19;
	s21 =	sadd.s32 $0x200, s19  }
0x25: {  	[tilespmem:s15], [sflag:$0x1] =	stream.indirect.gather [hbm4b:s4+s14], $0x40, s20, s14, $0xb8;
	[tilespmem:$0x10D00] =	vst v63  }
0x26: {  	p0 =	sne.s32 s19, $0x9C00;
	_ =	swait.ge [sflag:s16], $0x2000  }
.Ltmp0:
0x27: {  	[sflag:s16] =	ssyncset.done $0x0;
	(pc) =	sbr.rel @p0 .LBB2_2-.Ltmp0, $4  }
0x28: {  	s19 =	sadd.s32 $0x2780, s20;
	[sflag:s16] =	ssyncadd.s32 $0xFFFFE000  }
0x29: {  	[spmem:s2] =	stream.indirect.scatter.add.f32 [tilespmem:s15], [sflag:$0x2], $0x40, s19, s14, $0xb8;
	[tilespmem:$0x10D00] =	vst v63  }
0x2a: {  	_ =	swait.ge [sflag:s12], $0x2000  }
0x2b: {  	s19 =	smov.u32 s21;
	[sflag:s12] =	ssyncset.done $0x0  }
0x2c: {  	s18 =	sshra.s32 s18, $0x2;
	[sflag:s12] =	ssyncadd.s32 $0xFFFFE000  }
0x2d: {  	[tilespmem:s15], [sflag:$0x1] =	stream.indirect.gather [hbm4b:s4+s14], $0x40, s18, s14, $0xb8;
	[tilespmem:$0x10D00] =	vst v63  }
0x2e: {  	_ =	swait.ge [sflag:s16], $0x2000  }
0x2f: {  	[sflag:s16] =	ssyncset.done $0x0  }
0x30: {  	s18 =	sadd.s32 $0x2780, s18;
	[sflag:s16] =	ssyncadd.s32 $0xFFFFE000  }
0x31: {  	[spmem:s2] =	stream.indirect.scatter.add.f32 [tilespmem:s15], [sflag:$0x2], $0x40, s18, s14, $0xb8;
	[tilespmem:$0x10D00] =	vst v63  }
0x32: {  	_ =	swait.ge [sflag:s12], $0x2000  }
0x33: {  	s17 =	sadd.s32 $0x1, s17;
	[sflag:s12] =	ssyncset.done $0x0  }
0x34: {  	p0 =	sne.s32 s17, s10;
	[sflag:s12] =	ssyncadd.s32 $0xFFFFE000  }
.Ltmp1:
0x35: {  	[bflag:$0x0] =	sbarrier.arrive $0xFFFF;
	(pc) =	sbr.rel @p0 .LBB2_1-.Ltmp1, $4  }
0x36: {  	[hbm:s9], [sflag:s6] =	dma.local [spmem:s11], $0x13C0  }
0x37: {  	_ =	swait.ge [sflag:s12], $0x13C0  }
0x38: {  	[sflag:s12] =	ssyncset.done $0x0  }
0x39: {  	[sflag:s12] =	ssyncadd.s32 $0xFFFFEC40  }
0x3a: {  	_ =	sfence.sel $0x180000  }
0x3b: {  	[bflag:$0x0] =	sbarrier.arrive $0xFFFF  }
0x3c: {  	p0 =	sne.s32 s1, $0x0;
	_ =	strace $0x9000004A  }
0x3d: {  	s0 =	sadd.s32 @!p0 $0x100000, s0;
	[bflag:$0x2] =	sbarrier.arrive $0xFFFF  }
0x3e: {  	[sflag:s0] =	ssyncadd.tile.s32 @!p0 $0x1;
	_ =	shalt  }
.Lfunc_end2:
_tile_overlayer_lowered:
.L_overlay_start_2:
0x3f: {  	(tag) =	ssettag $0x2  }
0x40: {  	s0 =	rddreg [dreg:$0x0];
	s2 =	stileid.u32  }
0x41: {  	s1 =	rddreg [dreg:$0x1];
	p0 =	sne.s32 s2, $0x0  }
0x42: {  	s3 =	rddreg [dreg:$0x2];
	[bflag:$0x3] =	sbarrier.arrive $0xFFFF;
	s2 =	simm.s32 @!p0 $0x1C02  }
0x43: {  	[timem:s3], [sflag:s2] =	dma.local @!p0 [hbm:s0], s1  }
0x44: {  	s0 =	simm.s32 @!p0 $0x2  }
0x45: {  	_ =	swait.ge @!p0 [sflag:s0], s1  }
0x46: {  	s1 =	ssub.s32 @!p0 $0x0, s1;
	[sflag:s0] =	ssyncset.done @!p0 $0x0  }
0x47: {  	[sflag:s0] =	ssyncadd.s32 @!p0 s1  }
0x48: {  	[bflag:$0x3] =	sbarrier.arrive $0xFFFF  }
0x49: {  	_ =	shalt  }

// kernel: kernel.14.cloned.1.call-start
scs
__scs_entry_jumppad:
0x0: {  	(pc) =	sbr.rel $0x88, $3  }
0x1: {  	(tag) =	ssettag $0x0;
	lr =	simm.s32 $0x1  }
0x2: {  	[smem:$0x3F94] =	sst lr;
	_ =	strace $0xD0000000  }
0x3: {  	_ = 	snop  }
0x4: {  	_ = 	snop  }
0x5: {  	_ = 	snop  }
0x6: {  	_ = 	snop  }
0x7: {  	_ = 	snop  }
__scs_overlays_trampoline_lowered:
0x8: {  	[smem:$0x3FA3] =	sst s0  }
0x9: {  	[smem:$0x3FA4] =	sst s1  }
0xa: {  	[smem:$0x3FA5] =	sst s2  }
0xb: {  	[smem:$0x3FA6] =	sst s3  }
0xc: {  	[smem:$0x3FA7] =	sst s4  }
0xd: {  	[smem:$0x3FA8] =	sst s5  }
0xe: {  	[smem:$0x3FA9] =	sst s6  }
0xf: {  	[smem:$0x3FAA] =	sst s7  }
0x10: {  	[smem:$0x3FAB] =	sst s8  }
0x11: {  	[smem:$0x3FAC] =	sst s9;
	s0 =	simm.s32 @!p0 $0x0  }
0x12: {  	s1 =	sld [smem:$0x3F92];
	s0 =	simm.s32 @p0 $0x1  }
0x13: {  	[smem:$0x3FAD] =	sst s0;
	s0 =	simm.s32 @!p1 $0x0  }
0x14: {  	s2 =	sld [smem:$0x3F91];
	s0 =	simm.s32 @p1 $0x1  }
0x15: {  	[smem:$0x3FAE] =	sst s0;
	s0 =	simm.s32 @!p2 $0x0  }
0x16: {  	s3 =	sld [smem:$0x3FDB];
	s0 =	simm.s32 @p2 $0x1  }
0x17: {  	s4 =	simm.s32 $0x1BF5;
	[smem:$0x3FB0] =	sst s0  }
0x18: {  	s0 =	sld [smem:$0x3F93];
	_ =	swait.ge [sflag:s4], $0x0  }
0x19: {  	s7 =	sld [smem:$0x3F94]  }
0x1a: {  	s8 =	sadd.s32 $0xFFFFE003, lr  }
0x1b: {  	s9 =	sadd.s32 $0xFFFFFEF7, lr;
	s5 =	simm.s32 $0xFFFFFFFF;
	p2 =	slt.u32 s8, $0xFFFFF086  }
0x1c: {  	p1 =	slt.u32 s9, $0xF7A;
	s5 =	simm.s32 @!p2 $0x0  }
0x1d: {  	s5 =	simm.s32 @p1 $0x1;
	p0 =	seq.s32 s7, s2  }
0x1e: {  	s7 =	smul.u32 @!p0 $0xF7A, s2;
	p2 =	seq.s32 @!p0 s5, $0x0  }
0x1f: {  	s9 =	smul.u32 $0xF7A, s1;
	s8 =	simm.s32 @!p0 $0x1BF5;
	p2 =	por !p2, p0  }
0x20: {  	[sflag:s8] =	ssyncset.s32 @!p0 $0xFFFFF086;
	s6 =	sadd.s32 @!p0 s3, s7;
	s7 =	simm.s32 @!p0 $0x108  }
0x21: {  	s3 =	sadd.s32 s3, s9;
	s6 =	sadd.s32 @!p0 $0x88, s6;
	s7 =	simm.s32 @p2 $0x1082  }
0x22: {  	[simem:s7], [sflag:s8] =	dma.local @!p0 [hbm:s6], $0xF7A  }
0x23: {  	s9 =	sor.u32 $0xD0000000, s2;
	s6 =	simm.s32 $0x108;
	_ =	swait.ge @!p0 [sflag:s8], $0x0  }
0x24: {  	s3 =	sadd.s32 $0x88, s3;
	s6 =	simm.s32 @!p1 $0x1082;
	[sflag:s4] =	ssyncset.s32 $0xFFFFF086  }
0x25: {  	[simem:s6], [sflag:s4] =	dma.local [hbm:s3], $0xF7A  }
0x26: {  	[smem:$0x3F94] =	sst s1;
	(tag) =	ssettag s2;
	_ =	strace s9  }
0x27: {  	s1 =	sld [smem:$0x3FA4]  }
0x28: {  	s2 =	sld [smem:$0x3FA5]  }
0x29: {  	s4 =	sld [smem:$0x3FA7]  }
0x2a: {  	p0 =	seq.s32 s5, $0x0;
	s5 =	sld [smem:$0x3FA8]  }
0x2b: {  	s6 =	sld [smem:$0x3FA9]  }
0x2c: {  	s7 =	sld [smem:$0x3FAA]  }
0x2d: {  	s3 =	simm.s32 $0x108;
	s8 =	sld [smem:$0x3FAB]  }
0x2e: {  	s3 =	simm.s32 @!p0 $0x1082;
	s9 =	sld [smem:$0x3FAC]  }
0x2f: {  	lr =	sadd.s32 s0, s3;
	s0 =	sld [smem:$0x3FA3]  }
0x30: {  	s3 =	sld [smem:$0x3FA6]  }
0x31: {  	[smem:$0x3FAF] =	sst s10  }
0x32: {  	s10 =	sld [smem:$0x3FAD];
	_ =	sdelay $0x3  }
0x33: {  	p0 =	seq.s32 s10, $0x1;
	s10 =	sld [smem:$0x3FAF];
	_ =	sdelay $0x3  }
0x34: {  	[smem:$0x3FAF] =	sst s10  }
0x35: {  	s10 =	sld [smem:$0x3FAE];
	_ =	sdelay $0x3  }
0x36: {  	p1 =	seq.s32 s10, $0x1;
	s10 =	sld [smem:$0x3FAF];
	_ =	sdelay $0x3  }
0x37: {  	[smem:$0x3FAF] =	sst s10  }
0x38: {  	s10 =	sld [smem:$0x3FB0]  }
0x39: {  	_ = 	snop;
	(pc) =	sbr.ind lr, $3  }
0x3a: {  	_ = 	snop  }
0x3b: {  	_ = 	snop  }
0x3c: {  	p2 =	seq.s32 s10, $0x1;
	s10 =	sld [smem:$0x3FAF]  }
0x3d: {  	_ =	shalt  }
0x3e: {  	_ =	shalt  }
0x3f: {  	_ =	shalt  }
0x40: {  	_ =	shalt  }
0x41: {  	_ =	shalt  }
0x42: {  	_ =	shalt  }
0x43: {  	_ =	shalt  }
0x44: {  	_ =	shalt  }
0x45: {  	_ =	shalt  }
0x46: {  	_ =	shalt  }
0x47: {  	_ =	shalt  }
0x48: {  	_ =	shalt  }
0x49: {  	_ =	shalt  }
0x4a: {  	_ =	shalt  }
0x4b: {  	_ =	shalt  }
0x4c: {  	_ =	shalt  }
0x4d: {  	_ =	shalt  }
0x4e: {  	_ =	shalt  }
0x4f: {  	_ =	shalt  }
0x50: {  	_ =	shalt  }
0x51: {  	_ =	shalt  }
0x52: {  	_ =	shalt  }
0x53: {  	_ =	shalt  }
0x54: {  	_ =	shalt  }
0x55: {  	_ =	shalt  }
0x56: {  	_ =	shalt  }
0x57: {  	_ =	shalt  }
0x58: {  	_ =	shalt  }
0x59: {  	_ =	shalt  }
0x5a: {  	_ =	shalt  }
0x5b: {  	_ =	shalt  }
0x5c: {  	_ =	shalt  }
0x5d: {  	_ =	shalt  }
0x5e: {  	_ =	shalt  }
0x5f: {  	_ =	shalt  }
0x60: {  	_ =	shalt  }
0x61: {  	_ =	shalt  }
0x62: {  	_ =	shalt  }
0x63: {  	_ =	shalt  }
0x64: {  	_ =	shalt  }
0x65: {  	_ =	shalt  }
0x66: {  	_ =	shalt  }
0x67: {  	_ =	shalt  }
0x68: {  	_ =	shalt  }
0x69: {  	_ =	shalt  }
0x6a: {  	_ =	shalt  }
0x6b: {  	_ =	shalt  }
0x6c: {  	_ =	shalt  }
0x6d: {  	_ =	shalt  }
0x6e: {  	_ =	shalt  }
0x6f: {  	_ =	shalt  }
0x70: {  	_ =	shalt  }
0x71: {  	_ =	shalt  }
0x72: {  	_ =	shalt  }
0x73: {  	_ =	shalt  }
0x74: {  	_ =	shalt  }
0x75: {  	_ =	shalt  }
0x76: {  	_ =	shalt  }
0x77: {  	_ =	shalt  }
0x78: {  	_ =	shalt  }
0x79: {  	_ =	shalt  }
0x7a: {  	_ =	shalt  }
0x7b: {  	_ =	shalt  }
0x7c: {  	_ =	shalt  }
0x7d: {  	_ =	shalt  }
0x7e: {  	_ =	shalt  }
0x7f: {  	_ =	shalt  }
0x80: {  	_ =	shalt  }
0x81: {  	_ =	shalt  }
0x82: {  	_ =	shalt  }
0x83: {  	_ =	shalt  }
0x84: {  	_ =	shalt  }
0x85: {  	_ =	shalt  }
0x86: {  	_ =	shalt  }
0x87: {  	_ =	shalt  }
.Lfunc_end0:
.L_simem_size_0:
called_computation.2_lowered:
.L_overlay_start_0:
0x88: {  	s2 =	sld [smem:$0x3FD9]  }
0x89: {  	s3 =	sld [smem:$0x3FFE];
	_ =	sdelay $0x1  }
0x8a: {  	s1 =	srdreg.scid  }
0x8b: {  	s0 =	sand.u32 $0x1, s1  }
0x8c: {  	s16 =	sshll.u32 s0, $0xA;
	s2 =	sadd.s32 s3, s2  }
0x8d: {  	s2 =	sadd.s32 s2, s16  }
0x8e: {  	[smem:$0x3FBB] =	sst s2  }
0x8f: {  	_ = 	snop  }
0x90: {  	(tm) =	ssettm $0x1  }
0x91: {  	s17 =	sld [smem:$0x3FFB];
	_ =	sdelay $0x3  }
0x92: {  	_ =	strace s17  }
0x93: {  	s2 =	sld [smem:$0x3FFC];
	_ =	sdelay $0x3  }
0x94: {  	_ =	strace s2  }
0x95: {  	s2 =	sld [smem:$0x3FFD];
	_ =	sdelay $0x3  }
0x96: {  	_ =	strace s2  }
0x97: {  	_ =	strace $0x8FFFFFFF  }
0x98: {  	s18 =	sld [smem:$0x3FDB];
	_ =	sdelay $0x1  }
0x99: {  	s19 =	simm.s32 $_scs_section_size  }
0x9a: {  	s4 =	simm.s32 $_size__tile_overlayer_lowered;
	s5 =	simm.s32 $_tile_overlayer_lowered  }
0x9b: {  	s22 =	simm.s32 $0x1BFF;
	s21 =	sshll.u32 s5, $0x1;
	s2 =	sadd.s32 s19, s18  }
0x9c: {  	s6 =	simm.s32 $0x0;
	s20 =	sshll.u32 s4, $0x1;
	s4 =	sadd.s32 s21, s2  }
0x9d: {  	[timem:s6], [sflag:s22] =	dma.local [hbm:s4], s20  }
0x9e: {  	_ =	swait.ge [sflag:s22], s20  }
0x9f: {  	s3 =	ssub.s32 $0x0, s20;
	[sflag:s22] =	ssyncset.done $0x0  }
0xa0: {  	[sflag:s22] =	ssyncadd.s32 s3;
	_ =	sdelay $0x1  }
0xa1: {  	s23 =	simm.s32 $0x1B8B  }
0xa2: {  	_ =	swait.ge [sflag:s23], $0x1  }
0xa3: {  	[sflag:s23] =	ssyncset.done $0x0  }
0xa4: {  	s25 =	simm.s32 $0x1B8E;
	s24 =	sld [smem:$0x3FFE];
	[sflag:s23] =	ssyncadd.s32 $0xFFFFFFFF  }
0xa5: {  	s26 =	simm.s32 $execute0_lowered;
	[smem:$0x3FD2] =	sst s25  }
0xa6: {  	s4 =	sshll.u32 s26, $0x1;
	_ =	strace $0x8000004C;
	[dreg:$0x1] =	wrdreg $0xFFFFFFFF  }
0xa7: {  	s28 =	simm.s32 $_size_execute0_lowered;
	s2 =	sadd.s32 s2, s4;
	[dreg:$0x0] =	wrdreg $0x0  }
0xa8: {  	s4 =	sshll.u32 s28, $0x1;
	[dreg:$0x2] =	wrdreg s2  }
0xa9: {  	[dreg:$0x3] =	wrdreg s4  }
0xaa: {  	[dreg:$0x4] =	wrdreg $0xC0  }
0xab: {  	_ =	task [dreg:s6], $0x5FFFF  }
0xac: {  	[dreg:$0x1] =	wrdreg $0xFFFFFFFF  }
0xad: {  	[dreg:$0x0] =	wrdreg $0x60  }
0xae: {  	[dreg:$0x2] =	wrdreg s24  }
0xaf: {  	[dreg:$0x3] =	wrdreg $0x6F000  }
0xb0: {  	[dreg:$0x4] =	wrdreg $0x9  }
0xb1: {  	_ =	task.clear_ibuf [dreg:s6], $0x5FFFF;
	_ =	strace $0x9000004C  }
0xb2: {  	s29 =	simm.s32 $0x9;
	_ =	strace $0x8000004E  }
0xb3: {  	_ =	swait.ge [sflag:s29], $0x1  }
0xb4: {  	[sflag:s29] =	ssyncadd.s32 $0xFFFFFFFF  }
0xb5: {  	_ =	strace $0x9000004E  }
0xb6: {  	_ =	sfence  }
0xb7: {  	s30 =	sld [smem:$0x0];
	_ =	sdelay $0x2  }
0xb8: {  	s31 =	sshll.u32 s1, $0xD;
	s1 =	sshrl.u32 s1, $0x2  }
0xb9: {  	s3 =	sand.u32 $0x4000, s31;
	s1 =	sadd.s32 s1, s30  }
0xba: {  	s0 =	sor.u32 s3, s0;
	s1 =	sshll.u32 s1, $0x11  }
0xbb: {  	s0 =	sor.u32 s1, s0  }
0xbc: {  	s0 =	sadd.s32 $0x8F2B, s0  }
0xbd: {  	[sflag:s0] =	ssyncadd.remote.s32 $0x1  }
0xbe: {  	_ =	sfence.sel $0xFFFF  }
0xbf: {  	[dreg:$0x0] =	wrdreg $0xFFFFFFFF;
	(pc) =	sbr.abs _section_cstart, $3  }
0xc0: {  	[dreg:$0x1] =	wrdreg $0xFFFFFFFF  }
0xc1: {  	_ =	task.clear_ibuf [dreg:s6], $0x2FFFF;
	_ =	strace $0x9FFFFFFF  }
0xc2: {  	(tm) =	ssettm $0x7FFFFFFF  }
0xc3: {  	_ =	shalt  }
tec
execute0_lowered:
.L_overlay_start_1:
0x0: {  	(tag) =	ssettag $0x1  }
0x1: {  	s6 =	rddreg [dreg:$0x0]  }
0x2: {  	s2 =	rddreg [dreg:$0x1]  }
0x3: {  	s0 =	rddreg [dreg:$0x2];
	s3 =	srdreg.scid  }
0x4: {  	s1 =	stileid.u32;
	s13 =	simm.s32 $0x2780;
	s14 =	simm.s32 $0x80  }
0x5: {  	s15 =	simm.s32 $0x4F00;
	s16 =	simm.s32 $0x1;
	s17 =	simm.s32 $0x0  }
0x6: {  	s5 =	sand.u32 $0x1, s3;
	s4 =	sshll.u32 s1, $0x1;
	s7 =	smul.u32 $0x9E00, s1  }
0x7: {  	s3 =	simm.s32 $0x0;
	s31 =	sshll.u32 s1, $0x6;
	s4 =	sor.u32 s5, s4  }
0x8: {  	s8 =	smul.u32 $0x9E000, s5;
	[smem:$0x7FF] =	sst s3;
	s10 =	ssub.s32 $0x2, s5  }
0x9: {  	s5 =	sadd.s32 $0xC200, s6;
	s9 =	smul.u32 $0x4F0, s4;
	_ =	strace $0x8000004D  }
0xa: {  	s4 =	sadd.s32 $0x1B600, s6;
	s30 =	sshrl.u32 s10, $0x1;
	s8 =	sadd.s32 s7, s8  }
0xb: {  	s12 =	sadd.s32 s7, s2;
	s10 =	ssub.s32 s10, s30;
	s8 =	sshrl.u32 s8, $0x3  }
0xc: {  	s9 =	sadd.s32 s9, s6;
	s10 =	smax.u32 s10, $0x1;
	s11 =	sadd.s32 s8, s6  }
0xd: {  	s6 =	sor.u32 $0x1C02, s31;
	s7 =	sadd.s32 $0x11800, s9;
	s8 =	sadd.s32 $0x2400, s9  }
0xe: {  	s9 =	sadd.s32 $0x2F000, s11;
	s11 =	sshrl.u32 s12, $0x3;
	s12 =	simm.s32 $0x2  }
.LBB2_1:
0xf: {  	[spmem:s11], [sflag:s6] =	dma.local [hbm:s5], $0x13C0  }
0x10: {  	_ =	swait.ge [sflag:s12], $0x13C0  }
0x11: {  	[sflag:s12] =	ssyncset.done $0x0  }
0x12: {  	[sflag:s12] =	ssyncadd.s32 $0xFFFFEC40  }
0x13: {  	[tilespmem:s3], [sflag:$0x2] =	stream.linear.gather [hbm4b:s7+s3], $0x2780, $0x38;
	[tilespmem:$0x10D00] =	vst v63  }
0x14: {  	_ =	swait.ge [sflag:s12], $0x2780  }
0x15: {  	[sflag:s12] =	ssyncset.done $0x0  }
0x16: {  	[sflag:s12] =	ssyncadd.s32 $0xFFFFD880  }
0x17: {  	[tilespmem:s13], [sflag:$0x2] =	stream.linear.gather [hbm4b:s8+s3], $0x2780, $0x38;
	[tilespmem:$0x10D00] =	vst v63  }
0x18: {  	_ =	swait.ge [sflag:s12], $0x2780  }
0x19: {  	[sflag:s12] =	ssyncset.done $0x0  }
0x1a: {  	[sflag:s12] =	ssyncadd.s32 $0xFFFFD880  }
0x1b: {  	s18 =	simm.s32 $0x0;
	[bflag:$0x0] =	sbarrier.arrive $0xFFFF  }
0x1c: {  	[tilespmem:s15], [sflag:$0x1] =	stream.indirect.gather [hbm4b:s4+s14], $0x40, s18, s14, $0xb8;
	[tilespmem:$0x10D00] =	vst v63  }
0x1d: {  	_ =	swait.ge [sflag:s16], $0x2000  }
0x1e: {  	[sflag:s16] =	ssyncset.done $0x0  }
0x1f: {  	s31 =	simm.s32 $0x2780;
	[sflag:s16] =	ssyncadd.s32 $0xFFFFE000  }
0x20: {  	[spmem:s2] =	stream.indirect.scatter.add.f32 [tilespmem:s15], [sflag:$0x2], $0x40, s31, s14, $0xb8;
	[tilespmem:$0x10D00] =	vst v63  }
0x21: {  	_ =	swait.ge [sflag:s12], $0x2000  }
0x22: {  	s19 =	simm.s32 $0x400;
	s18 =	simm.s32 $0x200;
	[sflag:s12] =	ssyncset.done $0x0  }
.LBB2_2:
0x23: {  	s20 =	sshra.s32 s18, $0x2  }
0x24: {  	[sflag:s12] =	ssyncadd.s32 $0xFFFFE000;
	s18 =	smov.u32 s19;
	s21 =	sadd.s32 $0x200, s19  }
0x25: {  	[tilespmem:s15], [sflag:$0x1] =	stream.indirect.gather [hbm4b:s4+s14], $0x40, s20, s14, $0xb8;
	[tilespmem:$0x10D00] =	vst v63  }
0x26: {  	p0 =	sne.s32 s19, $0x9C00;
	_ =	swait.ge [sflag:s16], $0x2000  }
.Ltmp0:
0x27: {  	[sflag:s16] =	ssyncset.done $0x0;
	(pc) =	sbr.rel @p0 .LBB2_2-.Ltmp0, $4  }
0x28: {  	s19 =	sadd.s32 $0x2780, s20;
	[sflag:s16] =	ssyncadd.s32 $0xFFFFE000  }
0x29: {  	[spmem:s2] =	stream.indirect.scatter.add.f32 [tilespmem:s15], [sflag:$0x2], $0x40, s19, s14, $0xb8;
	[tilespmem:$0x10D00] =	vst v63  }
0x2a: {  	_ =	swait.ge [sflag:s12], $0x2000  }
0x2b: {  	s19 =	smov.u32 s21;
	[sflag:s12] =	ssyncset.done $0x0  }
0x2c: {  	s18 =	sshra.s32 s18, $0x2;
	[sflag:s12] =	ssyncadd.s32 $0xFFFFE000  }
0x2d: {  	[tilespmem:s15], [sflag:$0x1] =	stream.indirect.gather [hbm4b:s4+s14], $0x40, s18, s14, $0xb8;
	[tilespmem:$0x10D00] =	vst v63  }
0x2e: {  	_ =	swait.ge [sflag:s16], $0x2000  }
0x2f: {  	[sflag:s16] =	ssyncset.done $0x0  }
0x30: {  	s18 =	sadd.s32 $0x2780, s18;
	[sflag:s16] =	ssyncadd.s32 $0xFFFFE000  }
0x31: {  	[spmem:s2] =	stream.indirect.scatter.add.f32 [tilespmem:s15], [sflag:$0x2], $0x40, s18, s14, $0xb8;
	[tilespmem:$0x10D00] =	vst v63  }
0x32: {  	_ =	swait.ge [sflag:s12], $0x2000  }
0x33: {  	s17 =	sadd.s32 $0x1, s17;
	[sflag:s12] =	ssyncset.done $0x0  }
0x34: {  	p0 =	sne.s32 s17, s10;
	[sflag:s12] =	ssyncadd.s32 $0xFFFFE000  }
.Ltmp1:
0x35: {  	[bflag:$0x0] =	sbarrier.arrive $0xFFFF;
	(pc) =	sbr.rel @p0 .LBB2_1-.Ltmp1, $4  }
0x36: {  	[hbm:s9], [sflag:s6] =	dma.local [spmem:s11], $0x13C0  }
0x37: {  	_ =	swait.ge [sflag:s12], $0x13C0  }
0x38: {  	[sflag:s12] =	ssyncset.done $0x0  }
0x39: {  	[sflag:s12] =	ssyncadd.s32 $0xFFFFEC40  }
0x3a: {  	_ =	sfence.sel $0x180000  }
0x3b: {  	[bflag:$0x0] =	sbarrier.arrive $0xFFFF  }
0x3c: {  	p0 =	sne.s32 s1, $0x0;
	_ =	strace $0x9000004D  }
0x3d: {  	s0 =	sadd.s32 @!p0 $0x100000, s0;
	[bflag:$0x2] =	sbarrier.arrive $0xFFFF  }
0x3e: {  	[sflag:s0] =	ssyncadd.tile.s32 @!p0 $0x1;
	_ =	shalt  }
.Lfunc_end2:
_tile_overlayer_lowered:
.L_overlay_start_2:
0x3f: {  	(tag) =	ssettag $0x2  }
0x40: {  	s0 =	rddreg [dreg:$0x0];
	s2 =	stileid.u32  }
0x41: {  	s1 =	rddreg [dreg:$0x1];
	p0 =	sne.s32 s2, $0x0  }
0x42: {  	s3 =	rddreg [dreg:$0x2];
	[bflag:$0x3] =	sbarrier.arrive $0xFFFF;
	s2 =	simm.s32 @!p0 $0x1C02  }
0x43: {  	[timem:s3], [sflag:s2] =	dma.local @!p0 [hbm:s0], s1  }
0x44: {  	s0 =	simm.s32 @!p0 $0x2  }
0x45: {  	_ =	swait.ge @!p0 [sflag:s0], s1  }
0x46: {  	s1 =	ssub.s32 @!p0 $0x0, s1;
	[sflag:s0] =	ssyncset.done @!p0 $0x0  }
0x47: {  	[sflag:s0] =	ssyncadd.s32 @!p0 s1  }
0x48: {  	[bflag:$0x3] =	sbarrier.arrive $0xFFFF  }
0x49: {  	_ =	shalt  }

// kernel: kernel.8.cloned.1.call-start
scs
__scs_entry_jumppad:
0x0: {  	(pc) =	sbr.rel $0x88, $3  }
0x1: {  	(tag) =	ssettag $0x0;
	lr =	simm.s32 $0x1  }
0x2: {  	[smem:$0x3F94] =	sst lr;
	_ =	strace $0xD0000000  }
0x3: {  	_ = 	snop  }
0x4: {  	_ = 	snop  }
0x5: {  	_ = 	snop  }
0x6: {  	_ = 	snop  }
0x7: {  	_ = 	snop  }
__scs_overlays_trampoline_lowered:
0x8: {  	[smem:$0x3FA3] =	sst s0  }
0x9: {  	[smem:$0x3FA4] =	sst s1  }
0xa: {  	[smem:$0x3FA5] =	sst s2  }
0xb: {  	[smem:$0x3FA6] =	sst s3  }
0xc: {  	[smem:$0x3FA7] =	sst s4  }
0xd: {  	[smem:$0x3FA8] =	sst s5  }
0xe: {  	[smem:$0x3FA9] =	sst s6  }
0xf: {  	[smem:$0x3FAA] =	sst s7  }
0x10: {  	[smem:$0x3FAB] =	sst s8  }
0x11: {  	[smem:$0x3FAC] =	sst s9;
	s0 =	simm.s32 @!p0 $0x0  }
0x12: {  	s1 =	sld [smem:$0x3F92];
	s0 =	simm.s32 @p0 $0x1  }
0x13: {  	[smem:$0x3FAD] =	sst s0;
	s0 =	simm.s32 @!p1 $0x0  }
0x14: {  	s2 =	sld [smem:$0x3F91];
	s0 =	simm.s32 @p1 $0x1  }
0x15: {  	[smem:$0x3FAE] =	sst s0;
	s0 =	simm.s32 @!p2 $0x0  }
0x16: {  	s3 =	sld [smem:$0x3FDB];
	s0 =	simm.s32 @p2 $0x1  }
0x17: {  	s4 =	simm.s32 $0x1BF5;
	[smem:$0x3FB0] =	sst s0  }
0x18: {  	s0 =	sld [smem:$0x3F93];
	_ =	swait.ge [sflag:s4], $0x0  }
0x19: {  	s7 =	sld [smem:$0x3F94]  }
0x1a: {  	s8 =	sadd.s32 $0xFFFFE003, lr  }
0x1b: {  	s9 =	sadd.s32 $0xFFFFFEF7, lr;
	s5 =	simm.s32 $0xFFFFFFFF;
	p2 =	slt.u32 s8, $0xFFFFF086  }
0x1c: {  	p1 =	slt.u32 s9, $0xF7A;
	s5 =	simm.s32 @!p2 $0x0  }
0x1d: {  	s5 =	simm.s32 @p1 $0x1;
	p0 =	seq.s32 s7, s2  }
0x1e: {  	s7 =	smul.u32 @!p0 $0xF7A, s2;
	p2 =	seq.s32 @!p0 s5, $0x0  }
0x1f: {  	s9 =	smul.u32 $0xF7A, s1;
	s8 =	simm.s32 @!p0 $0x1BF5;
	p2 =	por !p2, p0  }
0x20: {  	[sflag:s8] =	ssyncset.s32 @!p0 $0xFFFFF086;
	s6 =	sadd.s32 @!p0 s3, s7;
	s7 =	simm.s32 @!p0 $0x108  }
0x21: {  	s3 =	sadd.s32 s3, s9;
	s6 =	sadd.s32 @!p0 $0x88, s6;
	s7 =	simm.s32 @p2 $0x1082  }
0x22: {  	[simem:s7], [sflag:s8] =	dma.local @!p0 [hbm:s6], $0xF7A  }
0x23: {  	s9 =	sor.u32 $0xD0000000, s2;
	s6 =	simm.s32 $0x108;
	_ =	swait.ge @!p0 [sflag:s8], $0x0  }
0x24: {  	s3 =	sadd.s32 $0x88, s3;
	s6 =	simm.s32 @!p1 $0x1082;
	[sflag:s4] =	ssyncset.s32 $0xFFFFF086  }
0x25: {  	[simem:s6], [sflag:s4] =	dma.local [hbm:s3], $0xF7A  }
0x26: {  	[smem:$0x3F94] =	sst s1;
	(tag) =	ssettag s2;
	_ =	strace s9  }
0x27: {  	s1 =	sld [smem:$0x3FA4]  }
0x28: {  	s2 =	sld [smem:$0x3FA5]  }
0x29: {  	s4 =	sld [smem:$0x3FA7]  }
0x2a: {  	p0 =	seq.s32 s5, $0x0;
	s5 =	sld [smem:$0x3FA8]  }
0x2b: {  	s6 =	sld [smem:$0x3FA9]  }
0x2c: {  	s7 =	sld [smem:$0x3FAA]  }
0x2d: {  	s3 =	simm.s32 $0x108;
	s8 =	sld [smem:$0x3FAB]  }
0x2e: {  	s3 =	simm.s32 @!p0 $0x1082;
	s9 =	sld [smem:$0x3FAC]  }
0x2f: {  	lr =	sadd.s32 s0, s3;
	s0 =	sld [smem:$0x3FA3]  }
0x30: {  	s3 =	sld [smem:$0x3FA6]  }
0x31: {  	[smem:$0x3FAF] =	sst s10  }
0x32: {  	s10 =	sld [smem:$0x3FAD];
	_ =	sdelay $0x3  }
0x33: {  	p0 =	seq.s32 s10, $0x1;
	s10 =	sld [smem:$0x3FAF];
	_ =	sdelay $0x3  }
0x34: {  	[smem:$0x3FAF] =	sst s10  }
0x35: {  	s10 =	sld [smem:$0x3FAE];
	_ =	sdelay $0x3  }
0x36: {  	p1 =	seq.s32 s10, $0x1;
	s10 =	sld [smem:$0x3FAF];
	_ =	sdelay $0x3  }
0x37: {  	[smem:$0x3FAF] =	sst s10  }
0x38: {  	s10 =	sld [smem:$0x3FB0]  }
0x39: {  	_ = 	snop;
	(pc) =	sbr.ind lr, $3  }
0x3a: {  	_ = 	snop  }
0x3b: {  	_ = 	snop  }
0x3c: {  	p2 =	seq.s32 s10, $0x1;
	s10 =	sld [smem:$0x3FAF]  }
0x3d: {  	_ =	shalt  }
0x3e: {  	_ =	shalt  }
0x3f: {  	_ =	shalt  }
0x40: {  	_ =	shalt  }
0x41: {  	_ =	shalt  }
0x42: {  	_ =	shalt  }
0x43: {  	_ =	shalt  }
0x44: {  	_ =	shalt  }
0x45: {  	_ =	shalt  }
0x46: {  	_ =	shalt  }
0x47: {  	_ =	shalt  }
0x48: {  	_ =	shalt  }
0x49: {  	_ =	shalt  }
0x4a: {  	_ =	shalt  }
0x4b: {  	_ =	shalt  }
0x4c: {  	_ =	shalt  }
0x4d: {  	_ =	shalt  }
0x4e: {  	_ =	shalt  }
0x4f: {  	_ =	shalt  }
0x50: {  	_ =	shalt  }
0x51: {  	_ =	shalt  }
0x52: {  	_ =	shalt  }
0x53: {  	_ =	shalt  }
0x54: {  	_ =	shalt  }
0x55: {  	_ =	shalt  }
0x56: {  	_ =	shalt  }
0x57: {  	_ =	shalt  }
0x58: {  	_ =	shalt  }
0x59: {  	_ =	shalt  }
0x5a: {  	_ =	shalt  }
0x5b: {  	_ =	shalt  }
0x5c: {  	_ =	shalt  }
0x5d: {  	_ =	shalt  }
0x5e: {  	_ =	shalt  }
0x5f: {  	_ =	shalt  }
0x60: {  	_ =	shalt  }
0x61: {  	_ =	shalt  }
0x62: {  	_ =	shalt  }
0x63: {  	_ =	shalt  }
0x64: {  	_ =	shalt  }
0x65: {  	_ =	shalt  }
0x66: {  	_ =	shalt  }
0x67: {  	_ =	shalt  }
0x68: {  	_ =	shalt  }
0x69: {  	_ =	shalt  }
0x6a: {  	_ =	shalt  }
0x6b: {  	_ =	shalt  }
0x6c: {  	_ =	shalt  }
0x6d: {  	_ =	shalt  }
0x6e: {  	_ =	shalt  }
0x6f: {  	_ =	shalt  }
0x70: {  	_ =	shalt  }
0x71: {  	_ =	shalt  }
0x72: {  	_ =	shalt  }
0x73: {  	_ =	shalt  }
0x74: {  	_ =	shalt  }
0x75: {  	_ =	shalt  }
0x76: {  	_ =	shalt  }
0x77: {  	_ =	shalt  }
0x78: {  	_ =	shalt  }
0x79: {  	_ =	shalt  }
0x7a: {  	_ =	shalt  }
0x7b: {  	_ =	shalt  }
0x7c: {  	_ =	shalt  }
0x7d: {  	_ =	shalt  }
0x7e: {  	_ =	shalt  }
0x7f: {  	_ =	shalt  }
0x80: {  	_ =	shalt  }
0x81: {  	_ =	shalt  }
0x82: {  	_ =	shalt  }
0x83: {  	_ =	shalt  }
0x84: {  	_ =	shalt  }
0x85: {  	_ =	shalt  }
0x86: {  	_ =	shalt  }
0x87: {  	_ =	shalt  }
.Lfunc_end0:
.L_simem_size_0:
called_computation_lowered:
.L_overlay_start_0:
0x88: {  	s2 =	sld [smem:$0x3FD9]  }
0x89: {  	s3 =	sld [smem:$0x3FFE];
	_ =	sdelay $0x1  }
0x8a: {  	s1 =	srdreg.scid  }
0x8b: {  	s0 =	sand.u32 $0x1, s1  }
0x8c: {  	s16 =	sshll.u32 s0, $0xA;
	s2 =	sadd.s32 s3, s2  }
0x8d: {  	s2 =	sadd.s32 s2, s16  }
0x8e: {  	[smem:$0x3FBB] =	sst s2  }
0x8f: {  	_ = 	snop  }
0x90: {  	(tm) =	ssettm $0x1  }
0x91: {  	s17 =	sld [smem:$0x3FFB];
	_ =	sdelay $0x3  }
0x92: {  	_ =	strace s17  }
0x93: {  	s2 =	sld [smem:$0x3FFC];
	_ =	sdelay $0x3  }
0x94: {  	_ =	strace s2  }
0x95: {  	s2 =	sld [smem:$0x3FFD];
	_ =	sdelay $0x3  }
0x96: {  	_ =	strace s2  }
0x97: {  	_ =	strace $0x8FFFFFFF  }
0x98: {  	s18 =	sld [smem:$0x3FDB];
	_ =	sdelay $0x1  }
0x99: {  	s19 =	simm.s32 $_scs_section_size  }
0x9a: {  	s4 =	simm.s32 $_size__tile_overlayer_lowered;
	s5 =	simm.s32 $_tile_overlayer_lowered  }
0x9b: {  	s22 =	simm.s32 $0x1BFF;
	s21 =	sshll.u32 s5, $0x1;
	s2 =	sadd.s32 s19, s18  }
0x9c: {  	s6 =	simm.s32 $0x0;
	s20 =	sshll.u32 s4, $0x1;
	s4 =	sadd.s32 s21, s2  }
0x9d: {  	[timem:s6], [sflag:s22] =	dma.local [hbm:s4], s20  }
0x9e: {  	_ =	swait.ge [sflag:s22], s20  }
0x9f: {  	s3 =	ssub.s32 $0x0, s20;
	[sflag:s22] =	ssyncset.done $0x0  }
0xa0: {  	[sflag:s22] =	ssyncadd.s32 s3;
	_ =	sdelay $0x1  }
0xa1: {  	s23 =	simm.s32 $0x1B8B  }
0xa2: {  	_ =	swait.ge [sflag:s23], $0x1  }
0xa3: {  	[sflag:s23] =	ssyncset.done $0x0  }
0xa4: {  	s25 =	simm.s32 $0x1B8E;
	s24 =	sld [smem:$0x3FFE];
	[sflag:s23] =	ssyncadd.s32 $0xFFFFFFFF  }
0xa5: {  	s26 =	simm.s32 $execute0_lowered;
	[smem:$0x3FD2] =	sst s25  }
0xa6: {  	s4 =	sshll.u32 s26, $0x1;
	_ =	strace $0x80000046;
	[dreg:$0x1] =	wrdreg $0xFFFFFFFF  }
0xa7: {  	s28 =	simm.s32 $_size_execute0_lowered;
	s2 =	sadd.s32 s2, s4;
	[dreg:$0x0] =	wrdreg $0x0  }
0xa8: {  	s4 =	sshll.u32 s28, $0x1;
	[dreg:$0x2] =	wrdreg s2  }
0xa9: {  	[dreg:$0x3] =	wrdreg s4  }
0xaa: {  	[dreg:$0x4] =	wrdreg $0xC0  }
0xab: {  	_ =	task [dreg:s6], $0x5FFFF  }
0xac: {  	[dreg:$0x1] =	wrdreg $0xFFFFFFFF  }
0xad: {  	[dreg:$0x0] =	wrdreg $0x60  }
0xae: {  	[dreg:$0x2] =	wrdreg s24  }
0xaf: {  	[dreg:$0x3] =	wrdreg $0x2B800  }
0xb0: {  	[dreg:$0x4] =	wrdreg $0x9  }
0xb1: {  	_ =	task.clear_ibuf [dreg:s6], $0x5FFFF;
	_ =	strace $0x90000046  }
0xb2: {  	s29 =	simm.s32 $0x9;
	_ =	strace $0x80000048  }
0xb3: {  	_ =	swait.ge [sflag:s29], $0x1  }
0xb4: {  	[sflag:s29] =	ssyncadd.s32 $0xFFFFFFFF  }
0xb5: {  	_ =	strace $0x90000048  }
0xb6: {  	_ =	sfence  }
0xb7: {  	s30 =	sld [smem:$0x0];
	_ =	sdelay $0x2  }
0xb8: {  	s31 =	sshll.u32 s1, $0xD;
	s1 =	sshrl.u32 s1, $0x2  }
0xb9: {  	s3 =	sand.u32 $0x4000, s31;
	s1 =	sadd.s32 s1, s30  }
0xba: {  	s0 =	sor.u32 s3, s0;
	s1 =	sshll.u32 s1, $0x11  }
0xbb: {  	s0 =	sor.u32 s1, s0  }
0xbc: {  	s0 =	sadd.s32 $0x8F2B, s0  }
0xbd: {  	[sflag:s0] =	ssyncadd.remote.s32 $0x1  }
0xbe: {  	_ =	sfence.sel $0xFFFF  }
0xbf: {  	[dreg:$0x0] =	wrdreg $0xFFFFFFFF;
	(pc) =	sbr.abs _section_cstart, $3  }
0xc0: {  	[dreg:$0x1] =	wrdreg $0xFFFFFFFF  }
0xc1: {  	_ =	task.clear_ibuf [dreg:s6], $0x2FFFF;
	_ =	strace $0x9FFFFFFF  }
0xc2: {  	(tm) =	ssettm $0x7FFFFFFF  }
0xc3: {  	_ =	shalt  }
tec
execute0_lowered:
.L_overlay_start_1:
0x0: {  	(tag) =	ssettag $0x1  }
0x1: {  	s1 =	srdreg.scid;
	s6 =	rddreg [dreg:$0x0]  }
0x2: {  	s0 =	stileid.u32;
	s2 =	rddreg [dreg:$0x1]  }
0x3: {  	s3 =	simm.s32 $0x0;
	s12 =	simm.s32 $0x2780;
	s13 =	simm.s32 $0x80  }
0x4: {  	s14 =	simm.s32 $0x0;
	s5 =	sand.u32 $0x1, s1;
	s29 =	sshll.u32 s0, $0x1  }
0x5: {  	s7 =	smul.u32 $0x13C0, s0;
	[smem:$0x7FF] =	sst s3;
	s31 =	sshll.u32 s0, $0x6  }
0x6: {  	s1 =	sor.u32 s5, s29;
	s8 =	smul.u32 $0x13C00, s5;
	s10 =	ssub.s32 $0x2, s5  }
0x7: {  	s5 =	sadd.s32 $0xC200, s6;
	s4 =	smul.u32 $0x4F0, s1;
	s1 =	rddreg [dreg:$0x2]  }
0x8: {  	_ =	strace $0x80000047;
	s30 =	sshrl.u32 s10, $0x1;
	s8 =	sadd.s32 s7, s8  }
0x9: {  	s11 =	sadd.s32 s7, s2;
	s10 =	ssub.s32 s10, s30;
	s8 =	sshrl.u32 s8, $0x3  }
0xa: {  	s9 =	sadd.s32 s4, s6;
	s4 =	sadd.s32 $0xC600, s6;
	s8 =	sadd.s32 s8, s6  }
0xb: {  	s6 =	sor.u32 $0x1C01, s31;
	s7 =	sadd.s32 $0x2400, s9;
	s9 =	smax.u32 s10, $0x1  }
0xc: {  	s10 =	sshrl.u32 s11, $0x3;
	s11 =	simm.s32 $0x1;
	s8 =	sadd.s32 $0xC800, s8  }
.LBB2_1:
0xd: {  	[spmem:s10], [sflag:s6] =	dma.local [hbm:s5], $0x278  }
0xe: {  	_ =	swait.ge [sflag:s11], $0x278  }
0xf: {  	[sflag:s11] =	ssyncset.done $0x0  }
0x10: {  	[sflag:s11] =	ssyncadd.s32 $0xFFFFFD88  }
0x11: {  	[tilespmem:s3], [sflag:$0x1] =	stream.linear.gather [hbm4b:s7+s3], $0x2780, $0x38;
	[tilespmem:$0x3F40] =	vst v63  }
0x12: {  	_ =	swait.ge [sflag:s11], $0x2780  }
0x13: {  	[sflag:s11] =	ssyncset.done $0x0  }
0x14: {  	[sflag:s11] =	ssyncadd.s32 $0xFFFFD880  }
0x15: {  	[tilespmem:s12], [sflag:$0x1] =	stream.linear.gather [hbm4b:s4+s3], $0x400, $0x38;
	[tilespmem:$0x3F40] =	vst v63  }
0x16: {  	_ =	swait.ge [sflag:s11], $0x400  }
0x17: {  	[sflag:s11] =	ssyncset.done $0x0  }
0x18: {  	[sflag:s11] =	ssyncadd.s32 $0xFFFFFC00  }
0x19: {  	s15 =	simm.s32 $0x0;
	[bflag:$0x0] =	sbarrier.arrive $0xFFFF  }
0x1a: {  	[spmem:s2] =	stream.indirect.scatter.add.f32 [tilespmem:s12], [sflag:$0x1], $0x8, s15, s13, $0xb8;
	[tilespmem:$0x3F40] =	vst v63  }
0x1b: {  	_ =	swait.ge [sflag:s11], $0x400  }
0x1c: {  	s15 =	simm.s32 $0x200;
	[sflag:s11] =	ssyncset.done $0x0  }
.LBB2_2:
0x1d: {  	s16 =	sshra.s32 s15, $0x2;
	[sflag:s11] =	ssyncadd.s32 $0xFFFFFC00;
	p0 =	sne.s32 s15, $0x9C00  }
0x1e: {  	[spmem:s2] =	stream.indirect.scatter.add.f32 [tilespmem:s12], [sflag:$0x1], $0x8, s16, s13, $0xb8;
	[tilespmem:$0x3F40] =	vst v63  }
.Ltmp0:
0x1f: {  	_ = 	snop;
	(pc) =	sbr.rel @p0 .LBB2_2-.Ltmp0, $4  }
0x20: {  	_ = 	snop  }
0x21: {  	s15 =	sadd.s32 $0x200, s15  }
0x22: {  	_ =	swait.ge [sflag:s11], $0x400  }
0x23: {  	[sflag:s11] =	ssyncset.done $0x0  }
0x24: {  	s14 =	sadd.s32 $0x1, s14  }
0x25: {  	[sflag:s11] =	ssyncadd.s32 $0xFFFFFC00;
	p0 =	sne.s32 s14, s9  }
.Ltmp1:
0x26: {  	[bflag:$0x0] =	sbarrier.arrive $0xFFFF;
	(pc) =	sbr.rel @p0 .LBB2_1-.Ltmp1, $4  }
0x27: {  	[hbm:s8], [sflag:s6] =	dma.local [spmem:s10], $0x278  }
0x28: {  	_ =	swait.ge [sflag:s11], $0x278  }
0x29: {  	[sflag:s11] =	ssyncset.done $0x0  }
0x2a: {  	[sflag:s11] =	ssyncadd.s32 $0xFFFFFD88  }
0x2b: {  	_ =	sfence.sel $0x180000  }
0x2c: {  	[bflag:$0x0] =	sbarrier.arrive $0xFFFF  }
0x2d: {  	p0 =	sne.s32 s0, $0x0;
	_ =	strace $0x90000047  }
0x2e: {  	s0 =	sadd.s32 @!p0 $0x100000, s1;
	[bflag:$0x2] =	sbarrier.arrive $0xFFFF  }
0x2f: {  	[sflag:s0] =	ssyncadd.tile.s32 @!p0 $0x1;
	_ =	shalt  }
.Lfunc_end2:
_tile_overlayer_lowered:
.L_overlay_start_2:
0x30: {  	(tag) =	ssettag $0x2  }
0x31: {  	s0 =	rddreg [dreg:$0x0];
	s2 =	stileid.u32  }
0x32: {  	s1 =	rddreg [dreg:$0x1];
	p0 =	sne.s32 s2, $0x0  }
0x33: {  	s3 =	rddreg [dreg:$0x2];
	[bflag:$0x3] =	sbarrier.arrive $0xFFFF;
	s2 =	simm.s32 @!p0 $0x1C01  }
0x34: {  	[timem:s3], [sflag:s2] =	dma.local @!p0 [hbm:s0], s1  }
0x35: {  	s0 =	simm.s32 @!p0 $0x1  }
0x36: {  	_ =	swait.ge @!p0 [sflag:s0], s1  }
0x37: {  	s1 =	ssub.s32 @!p0 $0x0, s1;
	[sflag:s0] =	ssyncset.done @!p0 $0x0  }
0x38: {  	[sflag:s0] =	ssyncadd.s32 @!p0 s1  }
0x39: {  	[bflag:$0x3] =	sbarrier.arrive $0xFFFF  }
0x3a: {  	_ =	shalt  }

</sc_bundles>
